<compile_context>
chip_gen: v7x
topology: tpu7x:2x2x1
jax: 0.10.2.dev20260603
libtpu: 0.0.44.dev20260713+nightly
codegen_flags: <defaults>
</compile_context>

<pallas_src>
import functools

import jax
import jax.numpy as jnp
from jax import lax
from jax.experimental import pallas as pl
from jax.experimental.pallas import tpu as pltpu
from jax.experimental.pallas import tpu_sc as plsc

_NBUF = 4


def _emb_kernel(bsz, seq, d, n_workers, num_cores, num_subcores, chunk):
    n_per_w = (bsz * seq) // n_workers
    w_per_b = n_workers // bsz
    n_chunks = n_per_w // chunk
    assert n_chunks % _NBUF == 0 and n_chunks >= 3 * _NBUF

    mesh = plsc.VectorSubcoreMesh(core_axis_name="c", subcore_axis_name="s")

    @functools.partial(
        pl.kernel,
        mesh=mesh,
        out_type=jax.ShapeDtypeStruct((bsz, seq, d), jnp.float32),
        scratch_types=[
            pltpu.VMEM((n_per_w,), jnp.int32),
            pltpu.VMEM((_NBUF, chunk, d), jnp.float32),
            pltpu.VMEM_SHARED((num_subcores, 2, chunk, d), jnp.float32),
        ]
        + [pltpu.SemaphoreType.DMA] * (_NBUF + 6),
    )
    def emb(idx_hbm, table_hbm, out_hbm, idx_v, rows_v, sp_v, *sems):
        sg = sems[:_NBUF]
        sd = sems[_NBUF : _NBUF + 2]
        sx = sems[_NBUF + 2 : _NBUF + 4]
        sp2 = sems[_NBUF + 4 :]
        cid = lax.axis_index("c")
        sid = lax.axis_index("s")
        wid = sid * num_cores + cid
        batch = wid // w_per_b
        off = (wid % w_per_b) * n_per_w
        pltpu.sync_copy(idx_hbm.at[batch, pl.ds(off, n_per_w)], idx_v)

        def out_slice(i):
            return out_hbm.at[batch, pl.ds(off + i * chunk, chunk)]

        def gather(i, b):
            return pltpu.make_async_copy(
                table_hbm.at[idx_v.at[pl.ds(i * chunk, chunk)]],
                rows_v.at[b],
                sg[b],
            )

        def put_direct(i, b):
            return pltpu.make_async_copy(rows_v.at[b], out_slice(i), sd[b // 2])

        def xbar(b):
            m = (b - 1) // 2
            return pltpu.make_async_copy(rows_v.at[b], sp_v.at[sid, m], sx[m])

        def put_sp(i, b):
            m = (b - 1) // 2
            return pltpu.make_async_copy(sp_v.at[sid, m], out_slice(i), sp2[m])

        gather(0, 0).start()
        gather(1, 1).start()

        def body(k, carry):
            for b in range(_NBUF):
                i = _NBUF * k + b
                nb = (b + 2) % _NBUF

                @pl.when(i >= 2)
                def _():
                    if nb % 2 == 0:
                        put_direct(i - 2, nb).wait()
                    else:
                        xbar(nb).wait()
                        put_sp(i - 2, nb).start()

                @pl.when(i + 2 < n_chunks)
                def _():
                    gather(i + 2, nb).start()

                gather(i, b).wait()
                if b % 2 == 0:
                    put_direct(i, b).start()
                else:
                    @pl.when(i >= _NBUF)
                    def _():
                        put_sp(i - _NBUF, b).wait()

                    xbar(b).start()
            return carry

        lax.fori_loop(0, n_chunks // _NBUF, body, 0)
        put_direct(n_chunks - 2, 2).wait()
        xbar(3).wait()
        put_sp(n_chunks - 1, 3).start()
        put_sp(n_chunks - 3, 1).wait()
        put_sp(n_chunks - 1, 3).wait()

    return emb


def kernel(input_ids, table):
    b, s = input_ids.shape
    v, d = table.shape
    idx = input_ids.astype(jnp.int32)
    info = plsc.get_sparse_core_info()
    nw = info.num_cores * info.num_subcores
    emb = _emb_kernel(
        b, s, d, nw, info.num_cores, info.num_subcores, chunk=8
    )
    return emb(idx, table)

# --- scband reference (transcript-rebuilt; emitter-appended) ---
"""Pipeline reference for scband-embedding-4767413699207 (READ-ONLY COPY).

The authoritative reference and input builder live on the scoring server;
editing this copy changes nothing except your own understanding.
"""

import jax, jax.numpy as jnp
import numpy as np

NUM_EMBEDDINGS = 100000
EMBED_DIM = 2048
BATCH = 2
SEQ = 4096

def setup_inputs(seed: int = 0) -> dict:
    key = jax.random.key(seed)
    k_idx, k_tab = jax.random.split(key)
    input_ids = jax.random.randint(k_idx, (BATCH, SEQ), 0, NUM_EMBEDDINGS, dtype=jnp.int64 if jax.config.read('jax_enable_x64') else jnp.int32)
    table = jax.random.normal(k_tab, (NUM_EMBEDDINGS, EMBED_DIM), dtype=jnp.float32) * 0.02
    return {"input_ids": input_ids, "table": table}

def reference(input_ids, table):
    # nn.Embedding forward: gather rows of the embedding table by token id
    hidden_states = jnp.take(table, input_ids, axis=0)
    return hidden_states

if __name__ == "__main__":
    import jax
    _d = setup_inputs()
    print(jax.jit(kernel)(*tuple(_d.values())))

</pallas_src>

<mosaic_0001>
#map = affine_map<(d0, d1) -> (0, 0)>
#map1 = affine_map<(d0, d1) -> (0, 0, 0)>
module attributes {stable_mosaic.version = 14 : i64} {
  func.func @emb(%arg0: i32, %arg1: i32, %arg2: memref<2x4096xi32, #tpu.memory_space<hbm>>, %arg3: memref<100000x2048xf32, #tpu.memory_space<hbm>>, %arg4: memref<2x4096x2048xf32, #tpu.memory_space<hbm>>, %arg5: memref<256xi32, #tpu.memory_space<vmem>>, %arg6: memref<4x8x2048xf32, #tpu.memory_space<vmem>>, %arg7: memref<16x2x8x2048xf32, #tpu.memory_space<vmem_shared>>, %arg8: memref<!tpu.dma_semaphore, #tpu.memory_space<semaphore_mem>>, %arg9: memref<!tpu.dma_semaphore, #tpu.memory_space<semaphore_mem>>, %arg10: memref<!tpu.dma_semaphore, #tpu.memory_space<semaphore_mem>>, %arg11: memref<!tpu.dma_semaphore, #tpu.memory_space<semaphore_mem>>, %arg12: memref<!tpu.dma_semaphore, #tpu.memory_space<semaphore_mem>>, %arg13: memref<!tpu.dma_semaphore, #tpu.memory_space<semaphore_mem>>, %arg14: memref<!tpu.dma_semaphore, #tpu.memory_space<semaphore_mem>>, %arg15: memref<!tpu.dma_semaphore, #tpu.memory_space<semaphore_mem>>, %arg16: memref<!tpu.dma_semaphore, #tpu.memory_space<semaphore_mem>>, %arg17: memref<!tpu.dma_semaphore, #tpu.memory_space<semaphore_mem>>) attributes {dimension_semantics = [#tpu.dimension_semantics<core_parallel>, #tpu.dimension_semantics<subcore_parallel>], iteration_bounds = array<i64: 2, 16>, scalar_prefetch = 0 : i64, scratch_operands = 13 : i64, tpu.core_type = #tpu.core_type<sc_vector_subcore>, window_params = [{transform_indices = #map}, {transform_indices = #map}, {transform_indices = #map1}]} {
    %mul3A = arith.constant 2 : i32
    %mul3A_0 = arith.muli %arg1, %mul3A : i32
    %add3A = arith.addi %mul3A_0, %arg0 : i32
    %jit3A = arith.constant 16 : i32
    %div3A = arith.divsi %add3A, %jit3A : i32
    %sign3A = arith.constant 0 : i32
    %sign3A_1 = arith.cmpi sgt, %add3A, %sign3A : i32
    %sign3A_2 = arith.extui %sign3A_1 : i1 to i32
    %sign3A_3 = arith.constant 0 : i32
    %sign3A_4 = arith.cmpi slt, %add3A, %sign3A_3 : i32
    %sign3A_5 = arith.extui %sign3A_4 : i1 to i32
    %sign3A_6 = arith.subi %sign3A_2, %sign3A_5 : i32
    %sign3A_7 = arith.constant 0 : i32
    %sign3A_8 = arith.cmpi sgt, %jit3A, %sign3A_7 : i32
    %sign3A_9 = arith.extui %sign3A_8 : i1 to i32
    %sign3A_10 = arith.constant 0 : i32
    %sign3A_11 = arith.cmpi slt, %jit3A, %sign3A_10 : i32
    %sign3A_12 = arith.extui %sign3A_11 : i1 to i32
    %sign3A_13 = arith.subi %sign3A_9, %sign3A_12 : i32
    %ne3A = arith.cmpi ne, %sign3A_6, %sign3A_13 : i32
    %rem3A = arith.remsi %add3A, %jit3A : i32
    %ne3A_14 = arith.constant 0 : i32
    %ne3A_15 = arith.cmpi ne, %rem3A, %ne3A_14 : i32
    %and3A = arith.andi %ne3A, %ne3A_15 : i1
    %sub3A = arith.constant 1 : i32
    %sub3A_16 = arith.subi %div3A, %sub3A : i32
    %select_n3A = arith.select %and3A, %sub3A_16, %div3A : i32
    %jit3A_17 = arith.constant 16 : i32
    %eq3A = arith.constant 0 : i32
    %eq3A_18 = arith.cmpi eq, %jit3A_17, %eq3A : i32
    %jit3A_19 = arith.constant 1 : i32
    %select_n3A_20 = arith.select %eq3A_18, %jit3A_19, %jit3A_17 : i32
    %rem3A_21 = arith.remsi %add3A, %select_n3A_20 : i32
    %ne3A_22 = arith.constant 0 : i32
    %ne3A_23 = arith.cmpi ne, %rem3A_21, %ne3A_22 : i32
    %lt3A = arith.constant 0 : i32
    %lt3A_24 = arith.cmpi slt, %rem3A_21, %lt3A : i32
    %lt3A_25 = arith.constant 0 : i32
    %lt3A_26 = arith.cmpi slt, %select_n3A_20, %lt3A_25 : i32
    %ne3A_27 = arith.xori %lt3A_24, %lt3A_26 : i1
    %and3A_28 = arith.andi %ne3A_27, %ne3A_23 : i1
    %add3A_29 = arith.addi %rem3A_21, %select_n3A_20 : i32
    %select_n3A_30 = arith.select %and3A_28, %add3A_29, %rem3A_21 : i32
    %mul3A_31 = arith.constant 256 : i32
    %mul3A_32 = arith.muli %select_n3A_30, %mul3A_31 : i32
    "tpu.region"() ({
      %run_scoped3A = tpu.sem_alloc : memref<!tpu.dma_semaphore, #tpu.memory_space<semaphore_mem>>
      %dma_start3A_121 = tpu.memref_slice %arg2[%select_n3A, %mul3A_32] : memref<2x4096xi32, #tpu.memory_space<hbm>> -> memref<1x256xi32, #tpu.memory_space<hbm>>
      %dma_start3A_122 = tpu.memref_squeeze %dma_start3A_121 : memref<1x256xi32, #tpu.memory_space<hbm>> -> memref<256xi32, #tpu.memory_space<hbm>>
      %dma_start3A_123 = tpu.memref_slice %arg2[%select_n3A, %mul3A_32] : memref<2x4096xi32, #tpu.memory_space<hbm>> -> memref<1x256xi32, #tpu.memory_space<hbm>>
      %dma_start3A_124 = tpu.memref_squeeze %dma_start3A_123 : memref<1x256xi32, #tpu.memory_space<hbm>> -> memref<256xi32, #tpu.memory_space<hbm>>
      tpu.enqueue_dma source(%dma_start3A_124 : memref<256xi32, #tpu.memory_space<hbm>>) target(%arg5 : memref<256xi32, #tpu.memory_space<vmem>>) target_semaphore(%run_scoped3A : memref<!tpu.dma_semaphore, #tpu.memory_space<semaphore_mem>>)
      %dma_wait3A_125 = tpu.memref_slice %arg2[%select_n3A, %mul3A_32] : memref<2x4096xi32, #tpu.memory_space<hbm>> -> memref<1x256xi32, #tpu.memory_space<hbm>>
      %dma_wait3A_126 = tpu.memref_squeeze %dma_wait3A_125 : memref<1x256xi32, #tpu.memory_space<hbm>> -> memref<256xi32, #tpu.memory_space<hbm>>
      %dma_wait3A_127 = tpu.memref_slice %arg2[%select_n3A, %mul3A_32] : memref<2x4096xi32, #tpu.memory_space<hbm>> -> memref<1x256xi32, #tpu.memory_space<hbm>>
      %dma_wait3A_128 = tpu.memref_squeeze %dma_wait3A_127 : memref<1x256xi32, #tpu.memory_space<hbm>> -> memref<256xi32, #tpu.memory_space<hbm>>
      tpu.wait_dma2 semaphore(%run_scoped3A : memref<!tpu.dma_semaphore, #tpu.memory_space<semaphore_mem>>) src(%dma_wait3A_128 : memref<256xi32, #tpu.memory_space<hbm>>) dst(%arg5 : memref<256xi32, #tpu.memory_space<vmem>>)
      tpu.yield
    }) : () -> ()
    %dma_start3A = arith.constant 0 : i32
    %dma_start3A_33 = arith.constant 0 : i32
    %dma_start3A_34 = arith.constant 0 : i32
    %dma_start3A_35 = tpu.memref_slice %arg6[%dma_start3A, %dma_start3A_33, %dma_start3A_34] : memref<4x8x2048xf32, #tpu.memory_space<vmem>> -> memref<1x8x2048xf32, #tpu.memory_space<vmem>>
    %dma_start3A_36 = tpu.memref_squeeze %dma_start3A_35 : memref<1x8x2048xf32, #tpu.memory_space<vmem>> -> memref<8x2048xf32, #tpu.memory_space<vmem>>
    %dma_start3A_37 = arith.constant 0 : i32
    %dma_start3A_38 = tpu.memref_slice %arg5[%dma_start3A_37] : memref<256xi32, #tpu.memory_space<vmem>> -> memref<8xi32, #tpu.memory_space<vmem>>
    %dma_start3A_39 = arith.constant 0 : i32
    %dma_start3A_40 = arith.constant 0 : i32
    %dma_start3A_41 = tpu.memref_slice %arg3[%dma_start3A_39, %dma_start3A_40] : memref<100000x2048xf32, #tpu.memory_space<hbm>> -> memref<100000x2048xf32, #tpu.memory_space<hbm>>
    tpu.enqueue_indirect_dma source(%dma_start3A_41 : memref<100000x2048xf32, #tpu.memory_space<hbm>>) target(%dma_start3A_36 : memref<8x2048xf32, #tpu.memory_space<vmem>>) offsets(%dma_start3A_38 : memref<8xi32, #tpu.memory_space<vmem>>) semaphore(%arg8 : memref<!tpu.dma_semaphore, #tpu.memory_space<semaphore_mem>>)
    %dma_start3A_42 = arith.constant 1 : i32
    %dma_start3A_43 = arith.constant 0 : i32
    %dma_start3A_44 = arith.constant 0 : i32
    %dma_start3A_45 = tpu.memref_slice %arg6[%dma_start3A_42, %dma_start3A_43, %dma_start3A_44] : memref<4x8x2048xf32, #tpu.memory_space<vmem>> -> memref<1x8x2048xf32, #tpu.memory_space<vmem>>
    %dma_start3A_46 = tpu.memref_squeeze %dma_start3A_45 : memref<1x8x2048xf32, #tpu.memory_space<vmem>> -> memref<8x2048xf32, #tpu.memory_space<vmem>>
    %dma_start3A_47 = arith.constant 8 : i32
    %dma_start3A_48 = tpu.memref_slice %arg5[%dma_start3A_47] : memref<256xi32, #tpu.memory_space<vmem>> -> memref<8xi32, #tpu.memory_space<vmem>>
    %dma_start3A_49 = arith.constant 0 : i32
    %dma_start3A_50 = arith.constant 0 : i32
    %dma_start3A_51 = tpu.memref_slice %arg3[%dma_start3A_49, %dma_start3A_50] : memref<100000x2048xf32, #tpu.memory_space<hbm>> -> memref<100000x2048xf32, #tpu.memory_space<hbm>>
    tpu.enqueue_indirect_dma source(%dma_start3A_51 : memref<100000x2048xf32, #tpu.memory_space<hbm>>) target(%dma_start3A_46 : memref<8x2048xf32, #tpu.memory_space<vmem>>) offsets(%dma_start3A_48 : memref<8xi32, #tpu.memory_space<vmem>>) semaphore(%arg9 : memref<!tpu.dma_semaphore, #tpu.memory_space<semaphore_mem>>)
    %scan3A = arith.constant 0 : i32
    %scan3A_52 = arith.constant 0 : i32
    %scan3A_53 = arith.constant 8 : i32
    %scan3A_54 = arith.addi %scan3A_52, %scan3A_53 : i32
    %scan3A_55 = arith.constant 1 : i32
    scf.for %scan3A_121 = %scan3A_52 to %scan3A_54 step %scan3A_55  : i32 {
      %mul3A_122 = arith.constant 4 : i32
      %mul3A_123 = arith.muli %mul3A_122, %scan3A_121 : i32
      %add3A_124 = arith.constant 0 : i32
      %add3A_125 = arith.addi %mul3A_123, %add3A_124 : i32
      %ge3A = arith.constant 2 : i32
      %ge3A_126 = arith.cmpi sge, %add3A_125, %ge3A : i32
      %convert_element_type3A = arith.extui %ge3A_126 : i1 to i32
      %cond3A = arith.constant 0 : i32
      %cond3A_127 = arith.cmpi ne, %convert_element_type3A, %cond3A : i32
      scf.if %cond3A_127 {
        %sub3A_309 = arith.constant 2 : i32
        %sub3A_310 = arith.subi %add3A_125, %sub3A_309 : i32
        %mul3A_311 = arith.constant 8 : i32
        %mul3A_312 = arith.muli %sub3A_310, %mul3A_311 : i32
        %add3A_313 = arith.addi %mul3A_32, %mul3A_312 : i32
        %dma_wait3A_314 = arith.constant 2 : i32
        %dma_wait3A_315 = arith.constant 0 : i32
        %dma_wait3A_316 = arith.constant 0 : i32
        %dma_wait3A_317 = tpu.memref_slice %arg6[%dma_wait3A_314, %dma_wait3A_315, %dma_wait3A_316] : memref<4x8x2048xf32, #tpu.memory_space<vmem>> -> memref<1x8x2048xf32, #tpu.memory_space<vmem>>
        %dma_wait3A_318 = tpu.memref_squeeze %dma_wait3A_317 : memref<1x8x2048xf32, #tpu.memory_space<vmem>> -> memref<8x2048xf32, #tpu.memory_space<vmem>>
        %dma_wait3A_319 = arith.constant 0 : i32
        %dma_wait3A_320 = tpu.memref_slice %arg4[%select_n3A, %add3A_313, %dma_wait3A_319] : memref<2x4096x2048xf32, #tpu.memory_space<hbm>> -> memref<1x8x2048xf32, #tpu.memory_space<hbm>>
        %dma_wait3A_321 = tpu.memref_squeeze %dma_wait3A_320 : memref<1x8x2048xf32, #tpu.memory_space<hbm>> -> memref<8x2048xf32, #tpu.memory_space<hbm>>
        %dma_wait3A_322 = arith.constant 0 : i32
        %dma_wait3A_323 = tpu.memref_slice %arg4[%select_n3A, %add3A_313, %dma_wait3A_322] : memref<2x4096x2048xf32, #tpu.memory_space<hbm>> -> memref<1x8x2048xf32, #tpu.memory_space<hbm>>
        %dma_wait3A_324 = tpu.memref_squeeze %dma_wait3A_323 : memref<1x8x2048xf32, #tpu.memory_space<hbm>> -> memref<8x2048xf32, #tpu.memory_space<hbm>>
        %dma_wait3A_325 = arith.constant 0 : i32
        %dma_wait3A_326 = arith.constant 0 : i32
        %dma_wait3A_327 = tpu.memref_slice %arg6[%dma_wait3A_314, %dma_wait3A_325, %dma_wait3A_326] : memref<4x8x2048xf32, #tpu.memory_space<vmem>> -> memref<1x8x2048xf32, #tpu.memory_space<vmem>>
        %dma_wait3A_328 = tpu.memref_squeeze %dma_wait3A_327 : memref<1x8x2048xf32, #tpu.memory_space<vmem>> -> memref<8x2048xf32, #tpu.memory_space<vmem>>
        tpu.wait_dma2 semaphore(%arg13 : memref<!tpu.dma_semaphore, #tpu.memory_space<semaphore_mem>>) src(%dma_wait3A_328 : memref<8x2048xf32, #tpu.memory_space<vmem>>) dst(%dma_wait3A_324 : memref<8x2048xf32, #tpu.memory_space<hbm>>)
      } else {
      }
      %add3A_128 = arith.constant 2 : i32
      %add3A_129 = arith.addi %add3A_125, %add3A_128 : i32
      %lt3A_130 = arith.constant 32 : i32
      %lt3A_131 = arith.cmpi slt, %add3A_129, %lt3A_130 : i32
      %convert_element_type3A_132 = arith.extui %lt3A_131 : i1 to i32
      %cond3A_133 = arith.constant 0 : i32
      %cond3A_134 = arith.cmpi ne, %convert_element_type3A_132, %cond3A_133 : i32
      scf.if %cond3A_134 {
        %add3A_309 = arith.constant 2 : i32
        %add3A_310 = arith.addi %add3A_125, %add3A_309 : i32
        %mul3A_311 = arith.constant 8 : i32
        %mul3A_312 = arith.muli %add3A_310, %mul3A_311 : i32
        %dma_start3A_313 = arith.constant 2 : i32
        %dma_start3A_314 = arith.constant 0 : i32
        %dma_start3A_315 = arith.constant 0 : i32
        %dma_start3A_316 = tpu.memref_slice %arg6[%dma_start3A_313, %dma_start3A_314, %dma_start3A_315] : memref<4x8x2048xf32, #tpu.memory_space<vmem>> -> memref<1x8x2048xf32, #tpu.memory_space<vmem>>
        %dma_start3A_317 = tpu.memref_squeeze %dma_start3A_316 : memref<1x8x2048xf32, #tpu.memory_space<vmem>> -> memref<8x2048xf32, #tpu.memory_space<vmem>>
        %dma_start3A_318 = tpu.memref_slice %arg5[%mul3A_312] : memref<256xi32, #tpu.memory_space<vmem>> -> memref<8xi32, #tpu.memory_space<vmem>>
        %dma_start3A_319 = arith.constant 0 : i32
        %dma_start3A_320 = arith.constant 0 : i32
        %dma_start3A_321 = tpu.memref_slice %arg3[%dma_start3A_319, %dma_start3A_320] : memref<100000x2048xf32, #tpu.memory_space<hbm>> -> memref<100000x2048xf32, #tpu.memory_space<hbm>>
        tpu.enqueue_indirect_dma source(%dma_start3A_321 : memref<100000x2048xf32, #tpu.memory_space<hbm>>) target(%dma_start3A_317 : memref<8x2048xf32, #tpu.memory_space<vmem>>) offsets(%dma_start3A_318 : memref<8xi32, #tpu.memory_space<vmem>>) semaphore(%arg10 : memref<!tpu.dma_semaphore, #tpu.memory_space<semaphore_mem>>)
      } else {
      }
      %mul3A_135 = arith.constant 8 : i32
      %mul3A_136 = arith.muli %add3A_125, %mul3A_135 : i32
      %dma_wait3A_137 = arith.constant 0 : i32
      %dma_wait3A_138 = arith.constant 0 : i32
      %dma_wait3A_139 = arith.constant 0 : i32
      %dma_wait3A_140 = tpu.memref_slice %arg6[%dma_wait3A_137, %dma_wait3A_138, %dma_wait3A_139] : memref<4x8x2048xf32, #tpu.memory_space<vmem>> -> memref<1x8x2048xf32, #tpu.memory_space<vmem>>
      %dma_wait3A_141 = tpu.memref_squeeze %dma_wait3A_140 : memref<1x8x2048xf32, #tpu.memory_space<vmem>> -> memref<8x2048xf32, #tpu.memory_space<vmem>>
      %dma_wait3A_142 = tpu.memref_slice %arg5[%mul3A_136] : memref<256xi32, #tpu.memory_space<vmem>> -> memref<8xi32, #tpu.memory_space<vmem>>
      %dma_wait3A_143 = arith.constant 0 : i32
      %dma_wait3A_144 = arith.constant 0 : i32
      %dma_wait3A_145 = tpu.memref_slice %arg3[%dma_wait3A_143, %dma_wait3A_144] : memref<100000x2048xf32, #tpu.memory_space<hbm>> -> memref<100000x2048xf32, #tpu.memory_space<hbm>>
      tpu.wait_indirect_dma semaphore(%arg8 : memref<!tpu.dma_semaphore, #tpu.memory_space<semaphore_mem>>) src(%dma_wait3A_145 : memref<100000x2048xf32, #tpu.memory_space<hbm>>) dst(%dma_wait3A_141 : memref<8x2048xf32, #tpu.memory_space<vmem>>)
      %mul3A_146 = arith.constant 8 : i32
      %mul3A_147 = arith.muli %add3A_125, %mul3A_146 : i32
      %add3A_148 = arith.addi %mul3A_32, %mul3A_147 : i32
      %dma_start3A_149 = arith.constant 0 : i32
      %dma_start3A_150 = arith.constant 0 : i32
      %dma_start3A_151 = arith.constant 0 : i32
      %dma_start3A_152 = tpu.memref_slice %arg6[%dma_start3A_149, %dma_start3A_150, %dma_start3A_151] : memref<4x8x2048xf32, #tpu.memory_space<vmem>> -> memref<1x8x2048xf32, #tpu.memory_space<vmem>>
      %dma_start3A_153 = tpu.memref_squeeze %dma_start3A_152 : memref<1x8x2048xf32, #tpu.memory_space<vmem>> -> memref<8x2048xf32, #tpu.memory_space<vmem>>
      %dma_start3A_154 = arith.constant 0 : i32
      %dma_start3A_155 = tpu.memref_slice %arg4[%select_n3A, %add3A_148, %dma_start3A_154] : memref<2x4096x2048xf32, #tpu.memory_space<hbm>> -> memref<1x8x2048xf32, #tpu.memory_space<hbm>>
      %dma_start3A_156 = tpu.memref_squeeze %dma_start3A_155 : memref<1x8x2048xf32, #tpu.memory_space<hbm>> -> memref<8x2048xf32, #tpu.memory_space<hbm>>
      %dma_start3A_157 = arith.constant 0 : i32
      %dma_start3A_158 = tpu.memref_slice %arg4[%select_n3A, %add3A_148, %dma_start3A_157] : memref<2x4096x2048xf32, #tpu.memory_space<hbm>> -> memref<1x8x2048xf32, #tpu.memory_space<hbm>>
      %dma_start3A_159 = tpu.memref_squeeze %dma_start3A_158 : memref<1x8x2048xf32, #tpu.memory_space<hbm>> -> memref<8x2048xf32, #tpu.memory_space<hbm>>
      %dma_start3A_160 = arith.constant 0 : i32
      %dma_start3A_161 = arith.constant 0 : i32
      %dma_start3A_162 = tpu.memref_slice %arg6[%dma_start3A_149, %dma_start3A_160, %dma_start3A_161] : memref<4x8x2048xf32, #tpu.memory_space<vmem>> -> memref<1x8x2048xf32, #tpu.memory_space<vmem>>
      %dma_start3A_163 = tpu.memref_squeeze %dma_start3A_162 : memref<1x8x2048xf32, #tpu.memory_space<vmem>> -> memref<8x2048xf32, #tpu.memory_space<vmem>>
      tpu.enqueue_dma source(%dma_start3A_163 : memref<8x2048xf32, #tpu.memory_space<vmem>>) target(%dma_start3A_159 : memref<8x2048xf32, #tpu.memory_space<hbm>>) target_semaphore(%arg12 : memref<!tpu.dma_semaphore, #tpu.memory_space<semaphore_mem>>)
      %mul3A_164 = arith.constant 4 : i32
      %mul3A_165 = arith.muli %mul3A_164, %scan3A_121 : i32
      %add3A_166 = arith.constant 1 : i32
      %add3A_167 = arith.addi %mul3A_165, %add3A_166 : i32
      %ge3A_168 = arith.constant 2 : i32
      %ge3A_169 = arith.cmpi sge, %add3A_167, %ge3A_168 : i32
      %convert_element_type3A_170 = arith.extui %ge3A_169 : i1 to i32
      %cond3A_171 = arith.constant 0 : i32
      %cond3A_172 = arith.cmpi ne, %convert_element_type3A_170, %cond3A_171 : i32
      scf.if %cond3A_172 {
        %dma_wait3A_309 = arith.constant 3 : i32
        %dma_wait3A_310 = arith.constant 1 : i32
        %dma_wait3A_311 = arith.constant 0 : i32
        %dma_wait3A_312 = arith.constant 0 : i32
        %dma_wait3A_313 = tpu.memref_slice %arg6[%dma_wait3A_309, %dma_wait3A_311, %dma_wait3A_312] : memref<4x8x2048xf32, #tpu.memory_space<vmem>> -> memref<1x8x2048xf32, #tpu.memory_space<vmem>>
        %dma_wait3A_314 = tpu.memref_squeeze %dma_wait3A_313 : memref<1x8x2048xf32, #tpu.memory_space<vmem>> -> memref<8x2048xf32, #tpu.memory_space<vmem>>
        %dma_wait3A_315 = arith.constant 0 : i32
        %dma_wait3A_316 = arith.constant 0 : i32
        %dma_wait3A_317 = tpu.memref_slice %arg7[%arg1, %dma_wait3A_310, %dma_wait3A_315, %dma_wait3A_316] : memref<16x2x8x2048xf32, #tpu.memory_space<vmem_shared>> -> memref<1x1x8x2048xf32, #tpu.memory_space<vmem_shared>>
        %dma_wait3A_318 = tpu.memref_squeeze %dma_wait3A_317 : memref<1x1x8x2048xf32, #tpu.memory_space<vmem_shared>> -> memref<8x2048xf32, #tpu.memory_space<vmem_shared>>
        %dma_wait3A_319 = arith.constant 0 : i32
        %dma_wait3A_320 = arith.constant 0 : i32
        %dma_wait3A_321 = tpu.memref_slice %arg7[%arg1, %dma_wait3A_310, %dma_wait3A_319, %dma_wait3A_320] : memref<16x2x8x2048xf32, #tpu.memory_space<vmem_shared>> -> memref<1x1x8x2048xf32, #tpu.memory_space<vmem_shared>>
        %dma_wait3A_322 = tpu.memref_squeeze %dma_wait3A_321 : memref<1x1x8x2048xf32, #tpu.memory_space<vmem_shared>> -> memref<8x2048xf32, #tpu.memory_space<vmem_shared>>
        %dma_wait3A_323 = arith.constant 0 : i32
        %dma_wait3A_324 = arith.constant 0 : i32
        %dma_wait3A_325 = tpu.memref_slice %arg6[%dma_wait3A_309, %dma_wait3A_323, %dma_wait3A_324] : memref<4x8x2048xf32, #tpu.memory_space<vmem>> -> memref<1x8x2048xf32, #tpu.memory_space<vmem>>
        %dma_wait3A_326 = tpu.memref_squeeze %dma_wait3A_325 : memref<1x8x2048xf32, #tpu.memory_space<vmem>> -> memref<8x2048xf32, #tpu.memory_space<vmem>>
        tpu.wait_dma2 semaphore(%arg15 : memref<!tpu.dma_semaphore, #tpu.memory_space<semaphore_mem>>) src(%dma_wait3A_326 : memref<8x2048xf32, #tpu.memory_space<vmem>>) dst(%dma_wait3A_322 : memref<8x2048xf32, #tpu.memory_space<vmem_shared>>)
        %sub3A_327 = arith.constant 2 : i32
        %sub3A_328 = arith.subi %add3A_167, %sub3A_327 : i32
        %mul3A_329 = arith.constant 8 : i32
        %mul3A_330 = arith.muli %sub3A_328, %mul3A_329 : i32
        %add3A_331 = arith.addi %mul3A_32, %mul3A_330 : i32
        %dma_start3A_332 = arith.constant 1 : i32
        %dma_start3A_333 = arith.constant 0 : i32
        %dma_start3A_334 = tpu.memref_slice %arg4[%select_n3A, %add3A_331, %dma_start3A_333] : memref<2x4096x2048xf32, #tpu.memory_space<hbm>> -> memref<1x8x2048xf32, #tpu.memory_space<hbm>>
        %dma_start3A_335 = tpu.memref_squeeze %dma_start3A_334 : memref<1x8x2048xf32, #tpu.memory_space<hbm>> -> memref<8x2048xf32, #tpu.memory_space<hbm>>
        %dma_start3A_336 = arith.constant 0 : i32
        %dma_start3A_337 = arith.constant 0 : i32
        %dma_start3A_338 = tpu.memref_slice %arg7[%arg1, %dma_start3A_332, %dma_start3A_336, %dma_start3A_337] : memref<16x2x8x2048xf32, #tpu.memory_space<vmem_shared>> -> memref<1x1x8x2048xf32, #tpu.memory_space<vmem_shared>>
        %dma_start3A_339 = tpu.memref_squeeze %dma_start3A_338 : memref<1x1x8x2048xf32, #tpu.memory_space<vmem_shared>> -> memref<8x2048xf32, #tpu.memory_space<vmem_shared>>
        tpu.enqueue_dma source(%dma_start3A_339 : memref<8x2048xf32, #tpu.memory_space<vmem_shared>>) target(%dma_start3A_335 : memref<8x2048xf32, #tpu.memory_space<hbm>>) target_semaphore(%arg17 : memref<!tpu.dma_semaphore, #tpu.memory_space<semaphore_mem>>)
      } else {
      }
      %add3A_173 = arith.constant 2 : i32
      %add3A_174 = arith.addi %add3A_167, %add3A_173 : i32
      %lt3A_175 = arith.constant 32 : i32
      %lt3A_176 = arith.cmpi slt, %add3A_174, %lt3A_175 : i32
      %convert_element_type3A_177 = arith.extui %lt3A_176 : i1 to i32
      %cond3A_178 = arith.constant 0 : i32
      %cond3A_179 = arith.cmpi ne, %convert_element_type3A_177, %cond3A_178 : i32
      scf.if %cond3A_179 {
        %add3A_309 = arith.constant 2 : i32
        %add3A_310 = arith.addi %add3A_167, %add3A_309 : i32
        %mul3A_311 = arith.constant 8 : i32
        %mul3A_312 = arith.muli %add3A_310, %mul3A_311 : i32
        %dma_start3A_313 = arith.constant 3 : i32
        %dma_start3A_314 = arith.constant 0 : i32
        %dma_start3A_315 = arith.constant 0 : i32
        %dma_start3A_316 = tpu.memref_slice %arg6[%dma_start3A_313, %dma_start3A_314, %dma_start3A_315] : memref<4x8x2048xf32, #tpu.memory_space<vmem>> -> memref<1x8x2048xf32, #tpu.memory_space<vmem>>
        %dma_start3A_317 = tpu.memref_squeeze %dma_start3A_316 : memref<1x8x2048xf32, #tpu.memory_space<vmem>> -> memref<8x2048xf32, #tpu.memory_space<vmem>>
        %dma_start3A_318 = tpu.memref_slice %arg5[%mul3A_312] : memref<256xi32, #tpu.memory_space<vmem>> -> memref<8xi32, #tpu.memory_space<vmem>>
        %dma_start3A_319 = arith.constant 0 : i32
        %dma_start3A_320 = arith.constant 0 : i32
        %dma_start3A_321 = tpu.memref_slice %arg3[%dma_start3A_319, %dma_start3A_320] : memref<100000x2048xf32, #tpu.memory_space<hbm>> -> memref<100000x2048xf32, #tpu.memory_space<hbm>>
        tpu.enqueue_indirect_dma source(%dma_start3A_321 : memref<100000x2048xf32, #tpu.memory_space<hbm>>) target(%dma_start3A_317 : memref<8x2048xf32, #tpu.memory_space<vmem>>) offsets(%dma_start3A_318 : memref<8xi32, #tpu.memory_space<vmem>>) semaphore(%arg11 : memref<!tpu.dma_semaphore, #tpu.memory_space<semaphore_mem>>)
      } else {
      }
      %mul3A_180 = arith.constant 8 : i32
      %mul3A_181 = arith.muli %add3A_167, %mul3A_180 : i32
      %dma_wait3A_182 = arith.constant 1 : i32
      %dma_wait3A_183 = arith.constant 0 : i32
      %dma_wait3A_184 = arith.constant 0 : i32
      %dma_wait3A_185 = tpu.memref_slice %arg6[%dma_wait3A_182, %dma_wait3A_183, %dma_wait3A_184] : memref<4x8x2048xf32, #tpu.memory_space<vmem>> -> memref<1x8x2048xf32, #tpu.memory_space<vmem>>
      %dma_wait3A_186 = tpu.memref_squeeze %dma_wait3A_185 : memref<1x8x2048xf32, #tpu.memory_space<vmem>> -> memref<8x2048xf32, #tpu.memory_space<vmem>>
      %dma_wait3A_187 = tpu.memref_slice %arg5[%mul3A_181] : memref<256xi32, #tpu.memory_space<vmem>> -> memref<8xi32, #tpu.memory_space<vmem>>
      %dma_wait3A_188 = arith.constant 0 : i32
      %dma_wait3A_189 = arith.constant 0 : i32
      %dma_wait3A_190 = tpu.memref_slice %arg3[%dma_wait3A_188, %dma_wait3A_189] : memref<100000x2048xf32, #tpu.memory_space<hbm>> -> memref<100000x2048xf32, #tpu.memory_space<hbm>>
      tpu.wait_indirect_dma semaphore(%arg9 : memref<!tpu.dma_semaphore, #tpu.memory_space<semaphore_mem>>) src(%dma_wait3A_190 : memref<100000x2048xf32, #tpu.memory_space<hbm>>) dst(%dma_wait3A_186 : memref<8x2048xf32, #tpu.memory_space<vmem>>)
      %ge3A_191 = arith.constant 4 : i32
      %ge3A_192 = arith.cmpi sge, %add3A_167, %ge3A_191 : i32
      %convert_element_type3A_193 = arith.extui %ge3A_192 : i1 to i32
      %cond3A_194 = arith.constant 0 : i32
      %cond3A_195 = arith.cmpi ne, %convert_element_type3A_193, %cond3A_194 : i32
      scf.if %cond3A_195 {
        %sub3A_309 = arith.constant 4 : i32
        %sub3A_310 = arith.subi %add3A_167, %sub3A_309 : i32
        %mul3A_311 = arith.constant 8 : i32
        %mul3A_312 = arith.muli %sub3A_310, %mul3A_311 : i32
        %add3A_313 = arith.addi %mul3A_32, %mul3A_312 : i32
        %dma_wait3A_314 = arith.constant 0 : i32
        %dma_wait3A_315 = arith.constant 0 : i32
        %dma_wait3A_316 = tpu.memref_slice %arg4[%select_n3A, %add3A_313, %dma_wait3A_315] : memref<2x4096x2048xf32, #tpu.memory_space<hbm>> -> memref<1x8x2048xf32, #tpu.memory_space<hbm>>
        %dma_wait3A_317 = tpu.memref_squeeze %dma_wait3A_316 : memref<1x8x2048xf32, #tpu.memory_space<hbm>> -> memref<8x2048xf32, #tpu.memory_space<hbm>>
        %dma_wait3A_318 = arith.constant 0 : i32
        %dma_wait3A_319 = arith.constant 0 : i32
        %dma_wait3A_320 = tpu.memref_slice %arg7[%arg1, %dma_wait3A_314, %dma_wait3A_318, %dma_wait3A_319] : memref<16x2x8x2048xf32, #tpu.memory_space<vmem_shared>> -> memref<1x1x8x2048xf32, #tpu.memory_space<vmem_shared>>
        %dma_wait3A_321 = tpu.memref_squeeze %dma_wait3A_320 : memref<1x1x8x2048xf32, #tpu.memory_space<vmem_shared>> -> memref<8x2048xf32, #tpu.memory_space<vmem_shared>>
        tpu.wait_dma2 semaphore(%arg16 : memref<!tpu.dma_semaphore, #tpu.memory_space<semaphore_mem>>) src(%dma_wait3A_321 : memref<8x2048xf32, #tpu.memory_space<vmem_shared>>) dst(%dma_wait3A_317 : memref<8x2048xf32, #tpu.memory_space<hbm>>)
      } else {
      }
      %dma_start3A_196 = arith.constant 1 : i32
      %dma_start3A_197 = arith.constant 0 : i32
      %dma_start3A_198 = arith.constant 0 : i32
      %dma_start3A_199 = arith.constant 0 : i32
      %dma_start3A_200 = tpu.memref_slice %arg6[%dma_start3A_196, %dma_start3A_198, %dma_start3A_199] : memref<4x8x2048xf32, #tpu.memory_space<vmem>> -> memref<1x8x2048xf32, #tpu.memory_space<vmem>>
      %dma_start3A_201 = tpu.memref_squeeze %dma_start3A_200 : memref<1x8x2048xf32, #tpu.memory_space<vmem>> -> memref<8x2048xf32, #tpu.memory_space<vmem>>
      %dma_start3A_202 = arith.constant 0 : i32
      %dma_start3A_203 = arith.constant 0 : i32
      %dma_start3A_204 = tpu.memref_slice %arg7[%arg1, %dma_start3A_197, %dma_start3A_202, %dma_start3A_203] : memref<16x2x8x2048xf32, #tpu.memory_space<vmem_shared>> -> memref<1x1x8x2048xf32, #tpu.memory_space<vmem_shared>>
      %dma_start3A_205 = tpu.memref_squeeze %dma_start3A_204 : memref<1x1x8x2048xf32, #tpu.memory_space<vmem_shared>> -> memref<8x2048xf32, #tpu.memory_space<vmem_shared>>
      %dma_start3A_206 = arith.constant 0 : i32
      %dma_start3A_207 = arith.constant 0 : i32
      %dma_start3A_208 = tpu.memref_slice %arg7[%arg1, %dma_start3A_197, %dma_start3A_206, %dma_start3A_207] : memref<16x2x8x2048xf32, #tpu.memory_space<vmem_shared>> -> memref<1x1x8x2048xf32, #tpu.memory_space<vmem_shared>>
      %dma_start3A_209 = tpu.memref_squeeze %dma_start3A_208 : memref<1x1x8x2048xf32, #tpu.memory_space<vmem_shared>> -> memref<8x2048xf32, #tpu.memory_space<vmem_shared>>
      %dma_start3A_210 = arith.constant 0 : i32
      %dma_start3A_211 = arith.constant 0 : i32
      %dma_start3A_212 = tpu.memref_slice %arg6[%dma_start3A_196, %dma_start3A_210, %dma_start3A_211] : memref<4x8x2048xf32, #tpu.memory_space<vmem>> -> memref<1x8x2048xf32, #tpu.memory_space<vmem>>
      %dma_start3A_213 = tpu.memref_squeeze %dma_start3A_212 : memref<1x8x2048xf32, #tpu.memory_space<vmem>> -> memref<8x2048xf32, #tpu.memory_space<vmem>>
      tpu.enqueue_dma source(%dma_start3A_213 : memref<8x2048xf32, #tpu.memory_space<vmem>>) target(%dma_start3A_209 : memref<8x2048xf32, #tpu.memory_space<vmem_shared>>) target_semaphore(%arg14 : memref<!tpu.dma_semaphore, #tpu.memory_space<semaphore_mem>>)
      %mul3A_214 = arith.constant 4 : i32
      %mul3A_215 = arith.muli %mul3A_214, %scan3A_121 : i32
      %add3A_216 = arith.constant 2 : i32
      %add3A_217 = arith.addi %mul3A_215, %add3A_216 : i32
      %ge3A_218 = arith.constant 2 : i32
      %ge3A_219 = arith.cmpi sge, %add3A_217, %ge3A_218 : i32
      %convert_element_type3A_220 = arith.extui %ge3A_219 : i1 to i32
      %cond3A_221 = arith.constant 0 : i32
      %cond3A_222 = arith.cmpi ne, %convert_element_type3A_220, %cond3A_221 : i32
      scf.if %cond3A_222 {
        %sub3A_309 = arith.constant 2 : i32
        %sub3A_310 = arith.subi %add3A_217, %sub3A_309 : i32
        %mul3A_311 = arith.constant 8 : i32
        %mul3A_312 = arith.muli %sub3A_310, %mul3A_311 : i32
        %add3A_313 = arith.addi %mul3A_32, %mul3A_312 : i32
        %dma_wait3A_314 = arith.constant 0 : i32
        %dma_wait3A_315 = arith.constant 0 : i32
        %dma_wait3A_316 = arith.constant 0 : i32
        %dma_wait3A_317 = tpu.memref_slice %arg6[%dma_wait3A_314, %dma_wait3A_315, %dma_wait3A_316] : memref<4x8x2048xf32, #tpu.memory_space<vmem>> -> memref<1x8x2048xf32, #tpu.memory_space<vmem>>
        %dma_wait3A_318 = tpu.memref_squeeze %dma_wait3A_317 : memref<1x8x2048xf32, #tpu.memory_space<vmem>> -> memref<8x2048xf32, #tpu.memory_space<vmem>>
        %dma_wait3A_319 = arith.constant 0 : i32
        %dma_wait3A_320 = tpu.memref_slice %arg4[%select_n3A, %add3A_313, %dma_wait3A_319] : memref<2x4096x2048xf32, #tpu.memory_space<hbm>> -> memref<1x8x2048xf32, #tpu.memory_space<hbm>>
        %dma_wait3A_321 = tpu.memref_squeeze %dma_wait3A_320 : memref<1x8x2048xf32, #tpu.memory_space<hbm>> -> memref<8x2048xf32, #tpu.memory_space<hbm>>
        %dma_wait3A_322 = arith.constant 0 : i32
        %dma_wait3A_323 = tpu.memref_slice %arg4[%select_n3A, %add3A_313, %dma_wait3A_322] : memref<2x4096x2048xf32, #tpu.memory_space<hbm>> -> memref<1x8x2048xf32, #tpu.memory_space<hbm>>
        %dma_wait3A_324 = tpu.memref_squeeze %dma_wait3A_323 : memref<1x8x2048xf32, #tpu.memory_space<hbm>> -> memref<8x2048xf32, #tpu.memory_space<hbm>>
        %dma_wait3A_325 = arith.constant 0 : i32
        %dma_wait3A_326 = arith.constant 0 : i32
        %dma_wait3A_327 = tpu.memref_slice %arg6[%dma_wait3A_314, %dma_wait3A_325, %dma_wait3A_326] : memref<4x8x2048xf32, #tpu.memory_space<vmem>> -> memref<1x8x2048xf32, #tpu.memory_space<vmem>>
        %dma_wait3A_328 = tpu.memref_squeeze %dma_wait3A_327 : memref<1x8x2048xf32, #tpu.memory_space<vmem>> -> memref<8x2048xf32, #tpu.memory_space<vmem>>
        tpu.wait_dma2 semaphore(%arg12 : memref<!tpu.dma_semaphore, #tpu.memory_space<semaphore_mem>>) src(%dma_wait3A_328 : memref<8x2048xf32, #tpu.memory_space<vmem>>) dst(%dma_wait3A_324 : memref<8x2048xf32, #tpu.memory_space<hbm>>)
      } else {
      }
      %add3A_223 = arith.constant 2 : i32
      %add3A_224 = arith.addi %add3A_217, %add3A_223 : i32
      %lt3A_225 = arith.constant 32 : i32
      %lt3A_226 = arith.cmpi slt, %add3A_224, %lt3A_225 : i32
      %convert_element_type3A_227 = arith.extui %lt3A_226 : i1 to i32
      %cond3A_228 = arith.constant 0 : i32
      %cond3A_229 = arith.cmpi ne, %convert_element_type3A_227, %cond3A_228 : i32
      scf.if %cond3A_229 {
        %add3A_309 = arith.constant 2 : i32
        %add3A_310 = arith.addi %add3A_217, %add3A_309 : i32
        %mul3A_311 = arith.constant 8 : i32
        %mul3A_312 = arith.muli %add3A_310, %mul3A_311 : i32
        %dma_start3A_313 = arith.constant 0 : i32
        %dma_start3A_314 = arith.constant 0 : i32
        %dma_start3A_315 = arith.constant 0 : i32
        %dma_start3A_316 = tpu.memref_slice %arg6[%dma_start3A_313, %dma_start3A_314, %dma_start3A_315] : memref<4x8x2048xf32, #tpu.memory_space<vmem>> -> memref<1x8x2048xf32, #tpu.memory_space<vmem>>
        %dma_start3A_317 = tpu.memref_squeeze %dma_start3A_316 : memref<1x8x2048xf32, #tpu.memory_space<vmem>> -> memref<8x2048xf32, #tpu.memory_space<vmem>>
        %dma_start3A_318 = tpu.memref_slice %arg5[%mul3A_312] : memref<256xi32, #tpu.memory_space<vmem>> -> memref<8xi32, #tpu.memory_space<vmem>>
        %dma_start3A_319 = arith.constant 0 : i32
        %dma_start3A_320 = arith.constant 0 : i32
        %dma_start3A_321 = tpu.memref_slice %arg3[%dma_start3A_319, %dma_start3A_320] : memref<100000x2048xf32, #tpu.memory_space<hbm>> -> memref<100000x2048xf32, #tpu.memory_space<hbm>>
        tpu.enqueue_indirect_dma source(%dma_start3A_321 : memref<100000x2048xf32, #tpu.memory_space<hbm>>) target(%dma_start3A_317 : memref<8x2048xf32, #tpu.memory_space<vmem>>) offsets(%dma_start3A_318 : memref<8xi32, #tpu.memory_space<vmem>>) semaphore(%arg8 : memref<!tpu.dma_semaphore, #tpu.memory_space<semaphore_mem>>)
      } else {
      }
      %mul3A_230 = arith.constant 8 : i32
      %mul3A_231 = arith.muli %add3A_217, %mul3A_230 : i32
      %dma_wait3A_232 = arith.constant 2 : i32
      %dma_wait3A_233 = arith.constant 0 : i32
      %dma_wait3A_234 = arith.constant 0 : i32
      %dma_wait3A_235 = tpu.memref_slice %arg6[%dma_wait3A_232, %dma_wait3A_233, %dma_wait3A_234] : memref<4x8x2048xf32, #tpu.memory_space<vmem>> -> memref<1x8x2048xf32, #tpu.memory_space<vmem>>
      %dma_wait3A_236 = tpu.memref_squeeze %dma_wait3A_235 : memref<1x8x2048xf32, #tpu.memory_space<vmem>> -> memref<8x2048xf32, #tpu.memory_space<vmem>>
      %dma_wait3A_237 = tpu.memref_slice %arg5[%mul3A_231] : memref<256xi32, #tpu.memory_space<vmem>> -> memref<8xi32, #tpu.memory_space<vmem>>
      %dma_wait3A_238 = arith.constant 0 : i32
      %dma_wait3A_239 = arith.constant 0 : i32
      %dma_wait3A_240 = tpu.memref_slice %arg3[%dma_wait3A_238, %dma_wait3A_239] : memref<100000x2048xf32, #tpu.memory_space<hbm>> -> memref<100000x2048xf32, #tpu.memory_space<hbm>>
      tpu.wait_indirect_dma semaphore(%arg10 : memref<!tpu.dma_semaphore, #tpu.memory_space<semaphore_mem>>) src(%dma_wait3A_240 : memref<100000x2048xf32, #tpu.memory_space<hbm>>) dst(%dma_wait3A_236 : memref<8x2048xf32, #tpu.memory_space<vmem>>)
      %mul3A_241 = arith.constant 8 : i32
      %mul3A_242 = arith.muli %add3A_217, %mul3A_241 : i32
      %add3A_243 = arith.addi %mul3A_32, %mul3A_242 : i32
      %dma_start3A_244 = arith.constant 2 : i32
      %dma_start3A_245 = arith.constant 0 : i32
      %dma_start3A_246 = arith.constant 0 : i32
      %dma_start3A_247 = tpu.memref_slice %arg6[%dma_start3A_244, %dma_start3A_245, %dma_start3A_246] : memref<4x8x2048xf32, #tpu.memory_space<vmem>> -> memref<1x8x2048xf32, #tpu.memory_space<vmem>>
      %dma_start3A_248 = tpu.memref_squeeze %dma_start3A_247 : memref<1x8x2048xf32, #tpu.memory_space<vmem>> -> memref<8x2048xf32, #tpu.memory_space<vmem>>
      %dma_start3A_249 = arith.constant 0 : i32
      %dma_start3A_250 = tpu.memref_slice %arg4[%select_n3A, %add3A_243, %dma_start3A_249] : memref<2x4096x2048xf32, #tpu.memory_space<hbm>> -> memref<1x8x2048xf32, #tpu.memory_space<hbm>>
      %dma_start3A_251 = tpu.memref_squeeze %dma_start3A_250 : memref<1x8x2048xf32, #tpu.memory_space<hbm>> -> memref<8x2048xf32, #tpu.memory_space<hbm>>
      %dma_start3A_252 = arith.constant 0 : i32
      %dma_start3A_253 = tpu.memref_slice %arg4[%select_n3A, %add3A_243, %dma_start3A_252] : memref<2x4096x2048xf32, #tpu.memory_space<hbm>> -> memref<1x8x2048xf32, #tpu.memory_space<hbm>>
      %dma_start3A_254 = tpu.memref_squeeze %dma_start3A_253 : memref<1x8x2048xf32, #tpu.memory_space<hbm>> -> memref<8x2048xf32, #tpu.memory_space<hbm>>
      %dma_start3A_255 = arith.constant 0 : i32
      %dma_start3A_256 = arith.constant 0 : i32
      %dma_start3A_257 = tpu.memref_slice %arg6[%dma_start3A_244, %dma_start3A_255, %dma_start3A_256] : memref<4x8x2048xf32, #tpu.memory_space<vmem>> -> memref<1x8x2048xf32, #tpu.memory_space<vmem>>
      %dma_start3A_258 = tpu.memref_squeeze %dma_start3A_257 : memref<1x8x2048xf32, #tpu.memory_space<vmem>> -> memref<8x2048xf32, #tpu.memory_space<vmem>>
      tpu.enqueue_dma source(%dma_start3A_258 : memref<8x2048xf32, #tpu.memory_space<vmem>>) target(%dma_start3A_254 : memref<8x2048xf32, #tpu.memory_space<hbm>>) target_semaphore(%arg13 : memref<!tpu.dma_semaphore, #tpu.memory_space<semaphore_mem>>)
      %mul3A_259 = arith.constant 4 : i32
      %mul3A_260 = arith.muli %mul3A_259, %scan3A_121 : i32
      %add3A_261 = arith.constant 3 : i32
      %add3A_262 = arith.addi %mul3A_260, %add3A_261 : i32
      %ge3A_263 = arith.constant 2 : i32
      %ge3A_264 = arith.cmpi sge, %add3A_262, %ge3A_263 : i32
      %convert_element_type3A_265 = arith.extui %ge3A_264 : i1 to i32
      %cond3A_266 = arith.constant 0 : i32
      %cond3A_267 = arith.cmpi ne, %convert_element_type3A_265, %cond3A_266 : i32
      scf.if %cond3A_267 {
        %dma_wait3A_309 = arith.constant 1 : i32
        %dma_wait3A_310 = arith.constant 0 : i32
        %dma_wait3A_311 = arith.constant 0 : i32
        %dma_wait3A_312 = arith.constant 0 : i32
        %dma_wait3A_313 = tpu.memref_slice %arg6[%dma_wait3A_309, %dma_wait3A_311, %dma_wait3A_312] : memref<4x8x2048xf32, #tpu.memory_space<vmem>> -> memref<1x8x2048xf32, #tpu.memory_space<vmem>>
        %dma_wait3A_314 = tpu.memref_squeeze %dma_wait3A_313 : memref<1x8x2048xf32, #tpu.memory_space<vmem>> -> memref<8x2048xf32, #tpu.memory_space<vmem>>
        %dma_wait3A_315 = arith.constant 0 : i32
        %dma_wait3A_316 = arith.constant 0 : i32
        %dma_wait3A_317 = tpu.memref_slice %arg7[%arg1, %dma_wait3A_310, %dma_wait3A_315, %dma_wait3A_316] : memref<16x2x8x2048xf32, #tpu.memory_space<vmem_shared>> -> memref<1x1x8x2048xf32, #tpu.memory_space<vmem_shared>>
        %dma_wait3A_318 = tpu.memref_squeeze %dma_wait3A_317 : memref<1x1x8x2048xf32, #tpu.memory_space<vmem_shared>> -> memref<8x2048xf32, #tpu.memory_space<vmem_shared>>
        %dma_wait3A_319 = arith.constant 0 : i32
        %dma_wait3A_320 = arith.constant 0 : i32
        %dma_wait3A_321 = tpu.memref_slice %arg7[%arg1, %dma_wait3A_310, %dma_wait3A_319, %dma_wait3A_320] : memref<16x2x8x2048xf32, #tpu.memory_space<vmem_shared>> -> memref<1x1x8x2048xf32, #tpu.memory_space<vmem_shared>>
        %dma_wait3A_322 = tpu.memref_squeeze %dma_wait3A_321 : memref<1x1x8x2048xf32, #tpu.memory_space<vmem_shared>> -> memref<8x2048xf32, #tpu.memory_space<vmem_shared>>
        %dma_wait3A_323 = arith.constant 0 : i32
        %dma_wait3A_324 = arith.constant 0 : i32
        %dma_wait3A_325 = tpu.memref_slice %arg6[%dma_wait3A_309, %dma_wait3A_323, %dma_wait3A_324] : memref<4x8x2048xf32, #tpu.memory_space<vmem>> -> memref<1x8x2048xf32, #tpu.memory_space<vmem>>
        %dma_wait3A_326 = tpu.memref_squeeze %dma_wait3A_325 : memref<1x8x2048xf32, #tpu.memory_space<vmem>> -> memref<8x2048xf32, #tpu.memory_space<vmem>>
        tpu.wait_dma2 semaphore(%arg14 : memref<!tpu.dma_semaphore, #tpu.memory_space<semaphore_mem>>) src(%dma_wait3A_326 : memref<8x2048xf32, #tpu.memory_space<vmem>>) dst(%dma_wait3A_322 : memref<8x2048xf32, #tpu.memory_space<vmem_shared>>)
        %sub3A_327 = arith.constant 2 : i32
        %sub3A_328 = arith.subi %add3A_262, %sub3A_327 : i32
        %mul3A_329 = arith.constant 8 : i32
        %mul3A_330 = arith.muli %sub3A_328, %mul3A_329 : i32
        %add3A_331 = arith.addi %mul3A_32, %mul3A_330 : i32
        %dma_start3A_332 = arith.constant 0 : i32
        %dma_start3A_333 = arith.constant 0 : i32
        %dma_start3A_334 = tpu.memref_slice %arg4[%select_n3A, %add3A_331, %dma_start3A_333] : memref<2x4096x2048xf32, #tpu.memory_space<hbm>> -> memref<1x8x2048xf32, #tpu.memory_space<hbm>>
        %dma_start3A_335 = tpu.memref_squeeze %dma_start3A_334 : memref<1x8x2048xf32, #tpu.memory_space<hbm>> -> memref<8x2048xf32, #tpu.memory_space<hbm>>
        %dma_start3A_336 = arith.constant 0 : i32
        %dma_start3A_337 = arith.constant 0 : i32
        %dma_start3A_338 = tpu.memref_slice %arg7[%arg1, %dma_start3A_332, %dma_start3A_336, %dma_start3A_337] : memref<16x2x8x2048xf32, #tpu.memory_space<vmem_shared>> -> memref<1x1x8x2048xf32, #tpu.memory_space<vmem_shared>>
        %dma_start3A_339 = tpu.memref_squeeze %dma_start3A_338 : memref<1x1x8x2048xf32, #tpu.memory_space<vmem_shared>> -> memref<8x2048xf32, #tpu.memory_space<vmem_shared>>
        tpu.enqueue_dma source(%dma_start3A_339 : memref<8x2048xf32, #tpu.memory_space<vmem_shared>>) target(%dma_start3A_335 : memref<8x2048xf32, #tpu.memory_space<hbm>>) target_semaphore(%arg16 : memref<!tpu.dma_semaphore, #tpu.memory_space<semaphore_mem>>)
      } else {
      }
      %add3A_268 = arith.constant 2 : i32
      %add3A_269 = arith.addi %add3A_262, %add3A_268 : i32
      %lt3A_270 = arith.constant 32 : i32
      %lt3A_271 = arith.cmpi slt, %add3A_269, %lt3A_270 : i32
      %convert_element_type3A_272 = arith.extui %lt3A_271 : i1 to i32
      %cond3A_273 = arith.constant 0 : i32
      %cond3A_274 = arith.cmpi ne, %convert_element_type3A_272, %cond3A_273 : i32
      scf.if %cond3A_274 {
        %add3A_309 = arith.constant 2 : i32
        %add3A_310 = arith.addi %add3A_262, %add3A_309 : i32
        %mul3A_311 = arith.constant 8 : i32
        %mul3A_312 = arith.muli %add3A_310, %mul3A_311 : i32
        %dma_start3A_313 = arith.constant 1 : i32
        %dma_start3A_314 = arith.constant 0 : i32
        %dma_start3A_315 = arith.constant 0 : i32
        %dma_start3A_316 = tpu.memref_slice %arg6[%dma_start3A_313, %dma_start3A_314, %dma_start3A_315] : memref<4x8x2048xf32, #tpu.memory_space<vmem>> -> memref<1x8x2048xf32, #tpu.memory_space<vmem>>
        %dma_start3A_317 = tpu.memref_squeeze %dma_start3A_316 : memref<1x8x2048xf32, #tpu.memory_space<vmem>> -> memref<8x2048xf32, #tpu.memory_space<vmem>>
        %dma_start3A_318 = tpu.memref_slice %arg5[%mul3A_312] : memref<256xi32, #tpu.memory_space<vmem>> -> memref<8xi32, #tpu.memory_space<vmem>>
        %dma_start3A_319 = arith.constant 0 : i32
        %dma_start3A_320 = arith.constant 0 : i32
        %dma_start3A_321 = tpu.memref_slice %arg3[%dma_start3A_319, %dma_start3A_320] : memref<100000x2048xf32, #tpu.memory_space<hbm>> -> memref<100000x2048xf32, #tpu.memory_space<hbm>>
        tpu.enqueue_indirect_dma source(%dma_start3A_321 : memref<100000x2048xf32, #tpu.memory_space<hbm>>) target(%dma_start3A_317 : memref<8x2048xf32, #tpu.memory_space<vmem>>) offsets(%dma_start3A_318 : memref<8xi32, #tpu.memory_space<vmem>>) semaphore(%arg9 : memref<!tpu.dma_semaphore, #tpu.memory_space<semaphore_mem>>)
      } else {
      }
      %mul3A_275 = arith.constant 8 : i32
      %mul3A_276 = arith.muli %add3A_262, %mul3A_275 : i32
      %dma_wait3A_277 = arith.constant 3 : i32
      %dma_wait3A_278 = arith.constant 0 : i32
      %dma_wait3A_279 = arith.constant 0 : i32
      %dma_wait3A_280 = tpu.memref_slice %arg6[%dma_wait3A_277, %dma_wait3A_278, %dma_wait3A_279] : memref<4x8x2048xf32, #tpu.memory_space<vmem>> -> memref<1x8x2048xf32, #tpu.memory_space<vmem>>
      %dma_wait3A_281 = tpu.memref_squeeze %dma_wait3A_280 : memref<1x8x2048xf32, #tpu.memory_space<vmem>> -> memref<8x2048xf32, #tpu.memory_space<vmem>>
      %dma_wait3A_282 = tpu.memref_slice %arg5[%mul3A_276] : memref<256xi32, #tpu.memory_space<vmem>> -> memref<8xi32, #tpu.memory_space<vmem>>
      %dma_wait3A_283 = arith.constant 0 : i32
      %dma_wait3A_284 = arith.constant 0 : i32
      %dma_wait3A_285 = tpu.memref_slice %arg3[%dma_wait3A_283, %dma_wait3A_284] : memref<100000x2048xf32, #tpu.memory_space<hbm>> -> memref<100000x2048xf32, #tpu.memory_space<hbm>>
      tpu.wait_indirect_dma semaphore(%arg11 : memref<!tpu.dma_semaphore, #tpu.memory_space<semaphore_mem>>) src(%dma_wait3A_285 : memref<100000x2048xf32, #tpu.memory_space<hbm>>) dst(%dma_wait3A_281 : memref<8x2048xf32, #tpu.memory_space<vmem>>)
      %ge3A_286 = arith.constant 4 : i32
      %ge3A_287 = arith.cmpi sge, %add3A_262, %ge3A_286 : i32
      %convert_element_type3A_288 = arith.extui %ge3A_287 : i1 to i32
      %cond3A_289 = arith.constant 0 : i32
      %cond3A_290 = arith.cmpi ne, %convert_element_type3A_288, %cond3A_289 : i32
      scf.if %cond3A_290 {
        %sub3A_309 = arith.constant 4 : i32
        %sub3A_310 = arith.subi %add3A_262, %sub3A_309 : i32
        %mul3A_311 = arith.constant 8 : i32
        %mul3A_312 = arith.muli %sub3A_310, %mul3A_311 : i32
        %add3A_313 = arith.addi %mul3A_32, %mul3A_312 : i32
        %dma_wait3A_314 = arith.constant 1 : i32
        %dma_wait3A_315 = arith.constant 0 : i32
        %dma_wait3A_316 = tpu.memref_slice %arg4[%select_n3A, %add3A_313, %dma_wait3A_315] : memref<2x4096x2048xf32, #tpu.memory_space<hbm>> -> memref<1x8x2048xf32, #tpu.memory_space<hbm>>
        %dma_wait3A_317 = tpu.memref_squeeze %dma_wait3A_316 : memref<1x8x2048xf32, #tpu.memory_space<hbm>> -> memref<8x2048xf32, #tpu.memory_space<hbm>>
        %dma_wait3A_318 = arith.constant 0 : i32
        %dma_wait3A_319 = arith.constant 0 : i32
        %dma_wait3A_320 = tpu.memref_slice %arg7[%arg1, %dma_wait3A_314, %dma_wait3A_318, %dma_wait3A_319] : memref<16x2x8x2048xf32, #tpu.memory_space<vmem_shared>> -> memref<1x1x8x2048xf32, #tpu.memory_space<vmem_shared>>
        %dma_wait3A_321 = tpu.memref_squeeze %dma_wait3A_320 : memref<1x1x8x2048xf32, #tpu.memory_space<vmem_shared>> -> memref<8x2048xf32, #tpu.memory_space<vmem_shared>>
        tpu.wait_dma2 semaphore(%arg17 : memref<!tpu.dma_semaphore, #tpu.memory_space<semaphore_mem>>) src(%dma_wait3A_321 : memref<8x2048xf32, #tpu.memory_space<vmem_shared>>) dst(%dma_wait3A_317 : memref<8x2048xf32, #tpu.memory_space<hbm>>)
      } else {
      }
      %dma_start3A_291 = arith.constant 3 : i32
      %dma_start3A_292 = arith.constant 1 : i32
      %dma_start3A_293 = arith.constant 0 : i32
      %dma_start3A_294 = arith.constant 0 : i32
      %dma_start3A_295 = tpu.memref_slice %arg6[%dma_start3A_291, %dma_start3A_293, %dma_start3A_294] : memref<4x8x2048xf32, #tpu.memory_space<vmem>> -> memref<1x8x2048xf32, #tpu.memory_space<vmem>>
      %dma_start3A_296 = tpu.memref_squeeze %dma_start3A_295 : memref<1x8x2048xf32, #tpu.memory_space<vmem>> -> memref<8x2048xf32, #tpu.memory_space<vmem>>
      %dma_start3A_297 = arith.constant 0 : i32
      %dma_start3A_298 = arith.constant 0 : i32
      %dma_start3A_299 = tpu.memref_slice %arg7[%arg1, %dma_start3A_292, %dma_start3A_297, %dma_start3A_298] : memref<16x2x8x2048xf32, #tpu.memory_space<vmem_shared>> -> memref<1x1x8x2048xf32, #tpu.memory_space<vmem_shared>>
      %dma_start3A_300 = tpu.memref_squeeze %dma_start3A_299 : memref<1x1x8x2048xf32, #tpu.memory_space<vmem_shared>> -> memref<8x2048xf32, #tpu.memory_space<vmem_shared>>
      %dma_start3A_301 = arith.constant 0 : i32
      %dma_start3A_302 = arith.constant 0 : i32
      %dma_start3A_303 = tpu.memref_slice %arg7[%arg1, %dma_start3A_292, %dma_start3A_301, %dma_start3A_302] : memref<16x2x8x2048xf32, #tpu.memory_space<vmem_shared>> -> memref<1x1x8x2048xf32, #tpu.memory_space<vmem_shared>>
      %dma_start3A_304 = tpu.memref_squeeze %dma_start3A_303 : memref<1x1x8x2048xf32, #tpu.memory_space<vmem_shared>> -> memref<8x2048xf32, #tpu.memory_space<vmem_shared>>
      %dma_start3A_305 = arith.constant 0 : i32
      %dma_start3A_306 = arith.constant 0 : i32
      %dma_start3A_307 = tpu.memref_slice %arg6[%dma_start3A_291, %dma_start3A_305, %dma_start3A_306] : memref<4x8x2048xf32, #tpu.memory_space<vmem>> -> memref<1x8x2048xf32, #tpu.memory_space<vmem>>
      %dma_start3A_308 = tpu.memref_squeeze %dma_start3A_307 : memref<1x8x2048xf32, #tpu.memory_space<vmem>> -> memref<8x2048xf32, #tpu.memory_space<vmem>>
      tpu.enqueue_dma source(%dma_start3A_308 : memref<8x2048xf32, #tpu.memory_space<vmem>>) target(%dma_start3A_304 : memref<8x2048xf32, #tpu.memory_space<vmem_shared>>) target_semaphore(%arg15 : memref<!tpu.dma_semaphore, #tpu.memory_space<semaphore_mem>>)
    }
    %scan3A_56 = arith.constant 8 : i32
    %add3A_57 = arith.constant 240 : i32
    %add3A_58 = arith.addi %mul3A_32, %add3A_57 : i32
    %dma_wait3A = arith.constant 2 : i32
    %dma_wait3A_59 = arith.constant 0 : i32
    %dma_wait3A_60 = arith.constant 0 : i32
    %dma_wait3A_61 = tpu.memref_slice %arg6[%dma_wait3A, %dma_wait3A_59, %dma_wait3A_60] : memref<4x8x2048xf32, #tpu.memory_space<vmem>> -> memref<1x8x2048xf32, #tpu.memory_space<vmem>>
    %dma_wait3A_62 = tpu.memref_squeeze %dma_wait3A_61 : memref<1x8x2048xf32, #tpu.memory_space<vmem>> -> memref<8x2048xf32, #tpu.memory_space<vmem>>
    %dma_wait3A_63 = arith.constant 0 : i32
    %dma_wait3A_64 = tpu.memref_slice %arg4[%select_n3A, %add3A_58, %dma_wait3A_63] : memref<2x4096x2048xf32, #tpu.memory_space<hbm>> -> memref<1x8x2048xf32, #tpu.memory_space<hbm>>
    %dma_wait3A_65 = tpu.memref_squeeze %dma_wait3A_64 : memref<1x8x2048xf32, #tpu.memory_space<hbm>> -> memref<8x2048xf32, #tpu.memory_space<hbm>>
    %dma_wait3A_66 = arith.constant 0 : i32
    %dma_wait3A_67 = tpu.memref_slice %arg4[%select_n3A, %add3A_58, %dma_wait3A_66] : memref<2x4096x2048xf32, #tpu.memory_space<hbm>> -> memref<1x8x2048xf32, #tpu.memory_space<hbm>>
    %dma_wait3A_68 = tpu.memref_squeeze %dma_wait3A_67 : memref<1x8x2048xf32, #tpu.memory_space<hbm>> -> memref<8x2048xf32, #tpu.memory_space<hbm>>
    %dma_wait3A_69 = arith.constant 0 : i32
    %dma_wait3A_70 = arith.constant 0 : i32
    %dma_wait3A_71 = tpu.memref_slice %arg6[%dma_wait3A, %dma_wait3A_69, %dma_wait3A_70] : memref<4x8x2048xf32, #tpu.memory_space<vmem>> -> memref<1x8x2048xf32, #tpu.memory_space<vmem>>
    %dma_wait3A_72 = tpu.memref_squeeze %dma_wait3A_71 : memref<1x8x2048xf32, #tpu.memory_space<vmem>> -> memref<8x2048xf32, #tpu.memory_space<vmem>>
    tpu.wait_dma2 semaphore(%arg13 : memref<!tpu.dma_semaphore, #tpu.memory_space<semaphore_mem>>) src(%dma_wait3A_72 : memref<8x2048xf32, #tpu.memory_space<vmem>>) dst(%dma_wait3A_68 : memref<8x2048xf32, #tpu.memory_space<hbm>>)
    %dma_wait3A_73 = arith.constant 3 : i32
    %dma_wait3A_74 = arith.constant 1 : i32
    %dma_wait3A_75 = arith.constant 0 : i32
    %dma_wait3A_76 = arith.constant 0 : i32
    %dma_wait3A_77 = tpu.memref_slice %arg6[%dma_wait3A_73, %dma_wait3A_75, %dma_wait3A_76] : memref<4x8x2048xf32, #tpu.memory_space<vmem>> -> memref<1x8x2048xf32, #tpu.memory_space<vmem>>
    %dma_wait3A_78 = tpu.memref_squeeze %dma_wait3A_77 : memref<1x8x2048xf32, #tpu.memory_space<vmem>> -> memref<8x2048xf32, #tpu.memory_space<vmem>>
    %dma_wait3A_79 = arith.constant 0 : i32
    %dma_wait3A_80 = arith.constant 0 : i32
    %dma_wait3A_81 = tpu.memref_slice %arg7[%arg1, %dma_wait3A_74, %dma_wait3A_79, %dma_wait3A_80] : memref<16x2x8x2048xf32, #tpu.memory_space<vmem_shared>> -> memref<1x1x8x2048xf32, #tpu.memory_space<vmem_shared>>
    %dma_wait3A_82 = tpu.memref_squeeze %dma_wait3A_81 : memref<1x1x8x2048xf32, #tpu.memory_space<vmem_shared>> -> memref<8x2048xf32, #tpu.memory_space<vmem_shared>>
    %dma_wait3A_83 = arith.constant 0 : i32
    %dma_wait3A_84 = arith.constant 0 : i32
    %dma_wait3A_85 = tpu.memref_slice %arg7[%arg1, %dma_wait3A_74, %dma_wait3A_83, %dma_wait3A_84] : memref<16x2x8x2048xf32, #tpu.memory_space<vmem_shared>> -> memref<1x1x8x2048xf32, #tpu.memory_space<vmem_shared>>
    %dma_wait3A_86 = tpu.memref_squeeze %dma_wait3A_85 : memref<1x1x8x2048xf32, #tpu.memory_space<vmem_shared>> -> memref<8x2048xf32, #tpu.memory_space<vmem_shared>>
    %dma_wait3A_87 = arith.constant 0 : i32
    %dma_wait3A_88 = arith.constant 0 : i32
    %dma_wait3A_89 = tpu.memref_slice %arg6[%dma_wait3A_73, %dma_wait3A_87, %dma_wait3A_88] : memref<4x8x2048xf32, #tpu.memory_space<vmem>> -> memref<1x8x2048xf32, #tpu.memory_space<vmem>>
    %dma_wait3A_90 = tpu.memref_squeeze %dma_wait3A_89 : memref<1x8x2048xf32, #tpu.memory_space<vmem>> -> memref<8x2048xf32, #tpu.memory_space<vmem>>
    tpu.wait_dma2 semaphore(%arg15 : memref<!tpu.dma_semaphore, #tpu.memory_space<semaphore_mem>>) src(%dma_wait3A_90 : memref<8x2048xf32, #tpu.memory_space<vmem>>) dst(%dma_wait3A_86 : memref<8x2048xf32, #tpu.memory_space<vmem_shared>>)
    %add3A_91 = arith.constant 248 : i32
    %add3A_92 = arith.addi %mul3A_32, %add3A_91 : i32
    %dma_start3A_93 = arith.constant 1 : i32
    %dma_start3A_94 = arith.constant 0 : i32
    %dma_start3A_95 = tpu.memref_slice %arg4[%select_n3A, %add3A_92, %dma_start3A_94] : memref<2x4096x2048xf32, #tpu.memory_space<hbm>> -> memref<1x8x2048xf32, #tpu.memory_space<hbm>>
    %dma_start3A_96 = tpu.memref_squeeze %dma_start3A_95 : memref<1x8x2048xf32, #tpu.memory_space<hbm>> -> memref<8x2048xf32, #tpu.memory_space<hbm>>
    %dma_start3A_97 = arith.constant 0 : i32
    %dma_start3A_98 = arith.constant 0 : i32
    %dma_start3A_99 = tpu.memref_slice %arg7[%arg1, %dma_start3A_93, %dma_start3A_97, %dma_start3A_98] : memref<16x2x8x2048xf32, #tpu.memory_space<vmem_shared>> -> memref<1x1x8x2048xf32, #tpu.memory_space<vmem_shared>>
    %dma_start3A_100 = tpu.memref_squeeze %dma_start3A_99 : memref<1x1x8x2048xf32, #tpu.memory_space<vmem_shared>> -> memref<8x2048xf32, #tpu.memory_space<vmem_shared>>
    tpu.enqueue_dma source(%dma_start3A_100 : memref<8x2048xf32, #tpu.memory_space<vmem_shared>>) target(%dma_start3A_96 : memref<8x2048xf32, #tpu.memory_space<hbm>>) target_semaphore(%arg17 : memref<!tpu.dma_semaphore, #tpu.memory_space<semaphore_mem>>)
    %add3A_101 = arith.constant 232 : i32
    %add3A_102 = arith.addi %mul3A_32, %add3A_101 : i32
    %dma_wait3A_103 = arith.constant 0 : i32
    %dma_wait3A_104 = arith.constant 0 : i32
    %dma_wait3A_105 = tpu.memref_slice %arg4[%select_n3A, %add3A_102, %dma_wait3A_104] : memref<2x4096x2048xf32, #tpu.memory_space<hbm>> -> memref<1x8x2048xf32, #tpu.memory_space<hbm>>
    %dma_wait3A_106 = tpu.memref_squeeze %dma_wait3A_105 : memref<1x8x2048xf32, #tpu.memory_space<hbm>> -> memref<8x2048xf32, #tpu.memory_space<hbm>>
    %dma_wait3A_107 = arith.constant 0 : i32
    %dma_wait3A_108 = arith.constant 0 : i32
    %dma_wait3A_109 = tpu.memref_slice %arg7[%arg1, %dma_wait3A_103, %dma_wait3A_107, %dma_wait3A_108] : memref<16x2x8x2048xf32, #tpu.memory_space<vmem_shared>> -> memref<1x1x8x2048xf32, #tpu.memory_space<vmem_shared>>
    %dma_wait3A_110 = tpu.memref_squeeze %dma_wait3A_109 : memref<1x1x8x2048xf32, #tpu.memory_space<vmem_shared>> -> memref<8x2048xf32, #tpu.memory_space<vmem_shared>>
    tpu.wait_dma2 semaphore(%arg16 : memref<!tpu.dma_semaphore, #tpu.memory_space<semaphore_mem>>) src(%dma_wait3A_110 : memref<8x2048xf32, #tpu.memory_space<vmem_shared>>) dst(%dma_wait3A_106 : memref<8x2048xf32, #tpu.memory_space<hbm>>)
    %add3A_111 = arith.constant 248 : i32
    %add3A_112 = arith.addi %mul3A_32, %add3A_111 : i32
    %dma_wait3A_113 = arith.constant 1 : i32
    %dma_wait3A_114 = arith.constant 0 : i32
    %dma_wait3A_115 = tpu.memref_slice %arg4[%select_n3A, %add3A_112, %dma_wait3A_114] : memref<2x4096x2048xf32, #tpu.memory_space<hbm>> -> memref<1x8x2048xf32, #tpu.memory_space<hbm>>
    %dma_wait3A_116 = tpu.memref_squeeze %dma_wait3A_115 : memref<1x8x2048xf32, #tpu.memory_space<hbm>> -> memref<8x2048xf32, #tpu.memory_space<hbm>>
    %dma_wait3A_117 = arith.constant 0 : i32
    %dma_wait3A_118 = arith.constant 0 : i32
    %dma_wait3A_119 = tpu.memref_slice %arg7[%arg1, %dma_wait3A_113, %dma_wait3A_117, %dma_wait3A_118] : memref<16x2x8x2048xf32, #tpu.memory_space<vmem_shared>> -> memref<1x1x8x2048xf32, #tpu.memory_space<vmem_shared>>
    %dma_wait3A_120 = tpu.memref_squeeze %dma_wait3A_119 : memref<1x1x8x2048xf32, #tpu.memory_space<vmem_shared>> -> memref<8x2048xf32, #tpu.memory_space<vmem_shared>>
    tpu.wait_dma2 semaphore(%arg17 : memref<!tpu.dma_semaphore, #tpu.memory_space<semaphore_mem>>) src(%dma_wait3A_120 : memref<8x2048xf32, #tpu.memory_space<vmem_shared>>) dst(%dma_wait3A_116 : memref<8x2048xf32, #tpu.memory_space<hbm>>)
    return
  }
}

</mosaic_0001>

<sc_bundles>
// kernel: kernel.3.cloned.1.call-start
scs
__scs_entry_jumppad:
0x0: {  	(pc) =	sbr.rel $0x88, $3  }
0x1: {  	(tag) =	ssettag $0x0;
	lr =	simm.s32 $0x1  }
0x2: {  	[smem:$0x3F9F] =	sst lr;
	_ =	strace $0xD0000000  }
0x3: {  	_ = 	snop  }
0x4: {  	_ = 	snop  }
0x5: {  	_ = 	snop  }
0x6: {  	_ = 	snop  }
0x7: {  	_ = 	snop  }
__scs_overlays_trampoline_lowered:
0x8: {  	[smem:$0x3FAE] =	sst s0  }
0x9: {  	[smem:$0x3FAF] =	sst s1  }
0xa: {  	[smem:$0x3FB0] =	sst s2  }
0xb: {  	[smem:$0x3FB1] =	sst s3  }
0xc: {  	[smem:$0x3FB2] =	sst s4  }
0xd: {  	[smem:$0x3FB3] =	sst s5  }
0xe: {  	[smem:$0x3FB4] =	sst s6  }
0xf: {  	[smem:$0x3FB5] =	sst s7  }
0x10: {  	[smem:$0x3FB6] =	sst s8  }
0x11: {  	[smem:$0x3FB7] =	sst s9;
	s0 =	simm.s32 @!p0 $0x0  }
0x12: {  	s1 =	sld [smem:$0x3F9D];
	s0 =	simm.s32 @p0 $0x1  }
0x13: {  	[smem:$0x3FB8] =	sst s0;
	s0 =	simm.s32 @!p1 $0x0  }
0x14: {  	s2 =	sld [smem:$0x3F9C];
	s0 =	simm.s32 @p1 $0x1  }
0x15: {  	[smem:$0x3FB9] =	sst s0;
	s0 =	simm.s32 @!p2 $0x0  }
0x16: {  	s3 =	sld [smem:$0x3FDB];
	s0 =	simm.s32 @p2 $0x1  }
0x17: {  	s4 =	simm.s32 $0x1BF5;
	[smem:$0x3FBB] =	sst s0  }
0x18: {  	s0 =	sld [smem:$0x3F9E];
	_ =	swait.ge [sflag:s4], $0x0  }
0x19: {  	s7 =	sld [smem:$0x3F9F]  }
0x1a: {  	s8 =	sadd.s32 $0xFFFFE003, lr  }
0x1b: {  	s9 =	sadd.s32 $0xFFFFFEF7, lr;
	s5 =	simm.s32 $0xFFFFFFFF;
	p2 =	slt.u32 s8, $0xFFFFF086  }
0x1c: {  	p1 =	slt.u32 s9, $0xF7A;
	s5 =	simm.s32 @!p2 $0x0  }
0x1d: {  	s5 =	simm.s32 @p1 $0x1;
	p0 =	seq.s32 s7, s2  }
0x1e: {  	s7 =	smul.u32 @!p0 $0xF7A, s2;
	p2 =	seq.s32 @!p0 s5, $0x0  }
0x1f: {  	s9 =	smul.u32 $0xF7A, s1;
	s8 =	simm.s32 @!p0 $0x1BF5;
	p2 =	por !p2, p0  }
0x20: {  	[sflag:s8] =	ssyncset.s32 @!p0 $0xFFFFF086;
	s6 =	sadd.s32 @!p0 s3, s7;
	s7 =	simm.s32 @!p0 $0x108  }
0x21: {  	s3 =	sadd.s32 s3, s9;
	s6 =	sadd.s32 @!p0 $0x88, s6;
	s7 =	simm.s32 @p2 $0x1082  }
0x22: {  	[simem:s7], [sflag:s8] =	dma.local @!p0 [hbm:s6], $0xF7A  }
0x23: {  	s9 =	sor.u32 $0xD0000000, s2;
	s6 =	simm.s32 $0x108;
	_ =	swait.ge @!p0 [sflag:s8], $0x0  }
0x24: {  	s3 =	sadd.s32 $0x88, s3;
	s6 =	simm.s32 @!p1 $0x1082;
	[sflag:s4] =	ssyncset.s32 $0xFFFFF086  }
0x25: {  	[simem:s6], [sflag:s4] =	dma.local [hbm:s3], $0xF7A  }
0x26: {  	[smem:$0x3F9F] =	sst s1;
	(tag) =	ssettag s2;
	_ =	strace s9  }
0x27: {  	s1 =	sld [smem:$0x3FAF]  }
0x28: {  	s2 =	sld [smem:$0x3FB0]  }
0x29: {  	s4 =	sld [smem:$0x3FB2]  }
0x2a: {  	p0 =	seq.s32 s5, $0x0;
	s5 =	sld [smem:$0x3FB3]  }
0x2b: {  	s6 =	sld [smem:$0x3FB4]  }
0x2c: {  	s7 =	sld [smem:$0x3FB5]  }
0x2d: {  	s3 =	simm.s32 $0x108;
	s8 =	sld [smem:$0x3FB6]  }
0x2e: {  	s3 =	simm.s32 @!p0 $0x1082;
	s9 =	sld [smem:$0x3FB7]  }
0x2f: {  	lr =	sadd.s32 s0, s3;
	s0 =	sld [smem:$0x3FAE]  }
0x30: {  	s3 =	sld [smem:$0x3FB1]  }
0x31: {  	[smem:$0x3FBA] =	sst s10  }
0x32: {  	s10 =	sld [smem:$0x3FB8];
	_ =	sdelay $0x3  }
0x33: {  	p0 =	seq.s32 s10, $0x1;
	s10 =	sld [smem:$0x3FBA];
	_ =	sdelay $0x3  }
0x34: {  	[smem:$0x3FBA] =	sst s10  }
0x35: {  	s10 =	sld [smem:$0x3FB9];
	_ =	sdelay $0x3  }
0x36: {  	p1 =	seq.s32 s10, $0x1;
	s10 =	sld [smem:$0x3FBA];
	_ =	sdelay $0x3  }
0x37: {  	[smem:$0x3FBA] =	sst s10  }
0x38: {  	s10 =	sld [smem:$0x3FBB]  }
0x39: {  	_ = 	snop;
	(pc) =	sbr.ind lr, $3  }
0x3a: {  	_ = 	snop  }
0x3b: {  	_ = 	snop  }
0x3c: {  	p2 =	seq.s32 s10, $0x1;
	s10 =	sld [smem:$0x3FBA]  }
0x3d: {  	_ =	shalt  }
0x3e: {  	_ =	shalt  }
0x3f: {  	_ =	shalt  }
0x40: {  	_ =	shalt  }
0x41: {  	_ =	shalt  }
0x42: {  	_ =	shalt  }
0x43: {  	_ =	shalt  }
0x44: {  	_ =	shalt  }
0x45: {  	_ =	shalt  }
0x46: {  	_ =	shalt  }
0x47: {  	_ =	shalt  }
0x48: {  	_ =	shalt  }
0x49: {  	_ =	shalt  }
0x4a: {  	_ =	shalt  }
0x4b: {  	_ =	shalt  }
0x4c: {  	_ =	shalt  }
0x4d: {  	_ =	shalt  }
0x4e: {  	_ =	shalt  }
0x4f: {  	_ =	shalt  }
0x50: {  	_ =	shalt  }
0x51: {  	_ =	shalt  }
0x52: {  	_ =	shalt  }
0x53: {  	_ =	shalt  }
0x54: {  	_ =	shalt  }
0x55: {  	_ =	shalt  }
0x56: {  	_ =	shalt  }
0x57: {  	_ =	shalt  }
0x58: {  	_ =	shalt  }
0x59: {  	_ =	shalt  }
0x5a: {  	_ =	shalt  }
0x5b: {  	_ =	shalt  }
0x5c: {  	_ =	shalt  }
0x5d: {  	_ =	shalt  }
0x5e: {  	_ =	shalt  }
0x5f: {  	_ =	shalt  }
0x60: {  	_ =	shalt  }
0x61: {  	_ =	shalt  }
0x62: {  	_ =	shalt  }
0x63: {  	_ =	shalt  }
0x64: {  	_ =	shalt  }
0x65: {  	_ =	shalt  }
0x66: {  	_ =	shalt  }
0x67: {  	_ =	shalt  }
0x68: {  	_ =	shalt  }
0x69: {  	_ =	shalt  }
0x6a: {  	_ =	shalt  }
0x6b: {  	_ =	shalt  }
0x6c: {  	_ =	shalt  }
0x6d: {  	_ =	shalt  }
0x6e: {  	_ =	shalt  }
0x6f: {  	_ =	shalt  }
0x70: {  	_ =	shalt  }
0x71: {  	_ =	shalt  }
0x72: {  	_ =	shalt  }
0x73: {  	_ =	shalt  }
0x74: {  	_ =	shalt  }
0x75: {  	_ =	shalt  }
0x76: {  	_ =	shalt  }
0x77: {  	_ =	shalt  }
0x78: {  	_ =	shalt  }
0x79: {  	_ =	shalt  }
0x7a: {  	_ =	shalt  }
0x7b: {  	_ =	shalt  }
0x7c: {  	_ =	shalt  }
0x7d: {  	_ =	shalt  }
0x7e: {  	_ =	shalt  }
0x7f: {  	_ =	shalt  }
0x80: {  	_ =	shalt  }
0x81: {  	_ =	shalt  }
0x82: {  	_ =	shalt  }
0x83: {  	_ =	shalt  }
0x84: {  	_ =	shalt  }
0x85: {  	_ =	shalt  }
0x86: {  	_ =	shalt  }
0x87: {  	_ =	shalt  }
.Lfunc_end0:
.L_simem_size_0:
called_computation_lowered:
.L_overlay_start_0:
0x88: {  	s2 =	sld [smem:$0x3FD9]  }
0x89: {  	s3 =	sld [smem:$0x3FFE];
	_ =	sdelay $0x1  }
0x8a: {  	s1 =	srdreg.scid  }
0x8b: {  	s0 =	sand.u32 $0x1, s1  }
0x8c: {  	s18 =	sshll.u32 s0, $0xA;
	s2 =	sadd.s32 s3, s2  }
0x8d: {  	s2 =	sadd.s32 s2, s18  }
0x8e: {  	[smem:$0x3FC6] =	sst s2  }
0x8f: {  	_ = 	snop  }
0x90: {  	s2 =	sld [smem:$0x3FC9]  }
0x91: {  	s19 =	sld [smem:$0x3FC8]  }
0x92: {  	s4 =	sld [smem:$0x3FD0];
	(tm) =	ssettm $0x1  }
0x93: {  	s5 =	sld [smem:$0x3FFB];
	_ =	sdelay $0x3  }
0x94: {  	_ =	strace s5  }
0x95: {  	s5 =	sld [smem:$0x3FFC];
	_ =	sdelay $0x3  }
0x96: {  	_ =	strace s5  }
0x97: {  	s5 =	sld [smem:$0x3FFD];
	_ =	sdelay $0x3  }
0x98: {  	_ =	strace s5  }
0x99: {  	_ =	strace $0x8FFFFFFF  }
0x9a: {  	s20 =	sld [smem:$0x3FDB];
	_ =	sdelay $0x1  }
0x9b: {  	s6 =	simm.s32 $_scs_section_size  }
0x9c: {  	s7 =	simm.s32 $_size__tile_overlayer_lowered;
	s8 =	simm.s32 $_tile_overlayer_lowered  }
0x9d: {  	s23 =	simm.s32 $0x1BFF;
	s22 =	sshll.u32 s8, $0x1;
	s5 =	sadd.s32 s6, s20  }
0x9e: {  	s9 =	simm.s32 $0x0;
	s21 =	sshll.u32 s7, $0x1;
	s7 =	sadd.s32 s22, s5  }
0x9f: {  	[timem:s9], [sflag:s23] =	dma.local [hbm:s7], s21  }
0xa0: {  	_ =	swait.ge [sflag:s23], s21  }
0xa1: {  	s6 =	ssub.s32 $0x0, s21;
	[sflag:s23] =	ssyncset.done $0x0  }
0xa2: {  	[sflag:s23] =	ssyncadd.s32 s6;
	_ =	sdelay $0x1  }
0xa3: {  	s24 =	simm.s32 $0x1B8B  }
0xa4: {  	_ =	swait.ge [sflag:s24], $0x1  }
0xa5: {  	[sflag:s24] =	ssyncset.done $0x0  }
0xa6: {  	s25 =	simm.s32 $0x1B8E;
	[sflag:s24] =	ssyncadd.s32 $0xFFFFFFFF  }
0xa7: {  	s26 =	simm.s32 $execute0_lowered;
	[smem:$0x3FD2] =	sst s25  }
0xa8: {  	s6 =	sshll.u32 s26, $0x1;
	_ =	strace $0x80000046;
	[dreg:$0x1] =	wrdreg $0xFFFFFFFF  }
0xa9: {  	s28 =	simm.s32 $_size_execute0_lowered;
	s5 =	sadd.s32 s5, s6;
	[dreg:$0x0] =	wrdreg $0x0  }
0xaa: {  	s6 =	sshll.u32 s28, $0x1;
	[dreg:$0x2] =	wrdreg s5  }
0xab: {  	[dreg:$0x3] =	wrdreg s6  }
0xac: {  	[dreg:$0x4] =	wrdreg $0xC0  }
0xad: {  	_ =	task [dreg:s9], $0x5FFFF  }
0xae: {  	[dreg:$0x1] =	wrdreg $0xFFFFFFFF  }
0xaf: {  	[dreg:$0x0] =	wrdreg $0x60  }
0xb0: {  	[dreg:$0x2] =	wrdreg s2  }
0xb1: {  	[dreg:$0x3] =	wrdreg s19  }
0xb2: {  	[dreg:$0x4] =	wrdreg s4  }
0xb3: {  	[dreg:$0x5] =	wrdreg $0x101000  }
0xb4: {  	[dreg:$0x6] =	wrdreg $0x9  }
0xb5: {  	_ =	task.clear_ibuf [dreg:s9], $0x7FFFF;
	_ =	strace $0x90000046  }
0xb6: {  	s29 =	simm.s32 $0x9;
	_ =	strace $0x80000048  }
0xb7: {  	_ =	swait.ge [sflag:s29], $0x1  }
0xb8: {  	[sflag:s29] =	ssyncadd.s32 $0xFFFFFFFF  }
0xb9: {  	_ =	strace $0x90000048  }
0xba: {  	_ =	sfence  }
0xbb: {  	s30 =	sld [smem:$0x0];
	_ =	sdelay $0x2  }
0xbc: {  	s31 =	sshll.u32 s1, $0xD;
	s1 =	sshrl.u32 s1, $0x2  }
0xbd: {  	s3 =	sand.u32 $0x4000, s31;
	s1 =	sadd.s32 s1, s30  }
0xbe: {  	s0 =	sor.u32 s3, s0;
	s1 =	sshll.u32 s1, $0x11  }
0xbf: {  	s0 =	sor.u32 s1, s0  }
0xc0: {  	s0 =	sadd.s32 $0x8F2B, s0  }
0xc1: {  	[sflag:s0] =	ssyncadd.remote.s32 $0x1  }
0xc2: {  	_ =	sfence.sel $0xFFFF  }
0xc3: {  	[dreg:$0x0] =	wrdreg $0xFFFFFFFF;
	(pc) =	sbr.abs _section_cstart, $3  }
0xc4: {  	[dreg:$0x1] =	wrdreg $0xFFFFFFFF  }
0xc5: {  	_ =	task.clear_ibuf [dreg:s9], $0x2FFFF;
	_ =	strace $0x9FFFFFFF  }
0xc6: {  	(tm) =	ssettm $0x7FFFFFFF  }
0xc7: {  	_ =	shalt  }
tec
execute0_lowered:
.L_overlay_start_1:
0x0: {  	(tag) =	ssettag $0x1  }
0x1: {  	s0 =	rddreg [dreg:$0x0]  }
0x2: {  	s1 =	rddreg [dreg:$0x1]  }
0x3: {  	s20 =	rddreg [dreg:$0x2]  }
0x4: {  	s2 =	rddreg [dreg:$0x3]  }
0x5: {  	s4 =	simm.s32 $0x0;
	s3 =	stileid.u32;
	s5 =	srdreg.scid  }
0x6: {  	s31 =	simm.s32 $0x8100;
	s28 =	simm.s32 $0xA;
	s19 =	stileid.u32  }
0x7: {  	[smem:$0x7FF] =	sst s4;
	s6 =	sshll.u32 s3, $0x1;
	s5 =	sand.u32 $0x1, s5  }
0x8: {  	s13 =	sshrl.u32 s3, $0x3;
	s10 =	sadd.s32 $0x500, s1;
	s11 =	sadd.s32 $0x600, s1  }
0x9: {  	s12 =	sadd.s32 $0x700, s1;
	s16 =	sshll.u32 s3, $0xF;
	s17 =	sand.u32 $0x7, s3  }
0xa: {  	s3 =	simm.s32 $0x4100;
	_ =	strace $0x80000047;
	s6 =	sand.u32 $0xE, s6  }
0xb: {  	s7 =	ssub.s32 $0x2, s5;
	s21 =	sshll.u32 s13, $0x4;
	s22 =	sshll.u32 s13, $0x17  }
0xc: {  	s13 =	sshll.u32 s13, $0x14;
	s17 =	sshll.u32 s17, $0x14;
	s14 =	sor.u32 s5, s6  }
0xd: {  	s8 =	sshrl.u32 s7, $0x1;
	s0 =	sadd.s32 s0, s21;
	s6 =	sadd.s32 $0x100, s1  }
0xe: {  	s18 =	sadd.s32 s13, s20;
	s5 =	sshll.u32 s5, $0x13;
	s13 =	sadd.s32 s16, s2  }
0xf: {  	s16 =	simm.s32 $0x2;
	s21 =	simm.s32 $0x7;
	s9 =	sshll.u32 s14, $0x6  }
0x10: {  	s15 =	ssub.s32 s7, s8;
	s7 =	sadd.s32 $0x200, s1;
	s8 =	sadd.s32 $0x300, s1  }
0x11: {  	s14 =	sshll.u32 s14, $0x10;
	s0 =	sadd.s32 s9, s0;
	s9 =	sadd.s32 $0x400, s1  }
0x12: {  	s23 =	sadd.s32 s14, s18;
	s14 =	sadd.s32 $0x4000, s13;
	s25 =	smax.u32 s15, $0x1  }
0x13: {  	s15 =	simm.s32 $0x4100;
	s18 =	simm.s32 $0x5;
	[dreg:$0x5] =	wrdreg s0  }
0x14: {  	s0 =	sor.u32 s17, s22;
	s2 =	sadd.s32 $0xF800, s23;
	[dreg:$0x7] =	wrdreg s25  }
0x15: {  	s25 =	simm.s32 $0x1;
	s23 =	simm.s32 $0x3;
	s0 =	sor.u32 s5, s0  }
0x16: {  	s17 =	stileid.u32;
	[dreg:$0x6] =	wrdreg s2;
	s24 =	sor.u32 $0x4000, s0  }
.Ltmp0:
0x17: {  	s26 =	sor.u32 $0x8000, s0;
	s29 =	sshrl.u32 s0, $0x3;
	(pc) =	sbr.rel .LBB2_1-.Ltmp0, $4  }
0x18: {  	s0 =	sadd.s32 $0xFFFFC000, s0;
	s2 =	sshrl.u32 s24, $0x3;
	s5 =	sshrl.u32 s26, $0x3  }
0x19: {  	v0 =	vlaneseq.u32;
	[dreg:$0x8] =	wrdreg s0;
	s30 =	sadd.s32 s29, s20;
	s26 =	simm.s32 $0xC100  }
0x1a: {  	v1 =	vshrl.u32 v0, $0x3;
	s24 =	simm.s32 $0x4;
	s2 =	sadd.s32 s2, s20;
	[dreg:$0xa] =	wrdreg s30  }
0x1b: {  	vm0 =	vmmov $0xffff;
	v0 =	vand.u32 $0x7, v0;
	v1 =	vmul.u32 $0x8, v1;
	s20 =	sadd.s32 s5, s20;
	[dreg:$0x9] =	wrdreg s2;
	s2 =	simm.s32 $0x0  }
.LBB2_7:
0x1c: {  	s0 =	simm.s32 $0x6  }
0x1d: {  	_ =	swait.ge [sflag:s0], $0x4000  }
0x1e: {  	[sflag:s0] =	ssyncset.done $0x0  }
0x1f: {  	s5 =	simm.s32 $0x8;
	[sflag:s0] =	ssyncadd.s32 $0xFFFFC000  }
0x20: {  	_ =	swait.ge [sflag:s5], $0x4000  }
0x21: {  	s15 =	sor.u32 $0x1C0A, s22;
	s2 =	sshrl.u32 s14, $0x3;
	[sflag:s5] =	ssyncset.done $0x0  }
0x22: {  	s22 =	simm.s32 $0x9;
	[sflag:s5] =	ssyncadd.s32 $0xFFFFC000;
	s5 =	rddreg [dreg:$0x6]  }
0x23: {  	[hbm:s5], [sflag:s15] =	dma.local [spmem:s2], $0x800  }
0x24: {  	_ =	swait.ge [sflag:s22], $0x800  }
0x25: {  	[sflag:s22] =	ssyncset.done $0x0  }
0x26: {  	[sflag:s22] =	ssyncadd.s32 $0xFFFFF800  }
0x27: {  	_ =	swait.ge [sflag:s28], $0x800  }
0x28: {  	s29 =	rddreg [dreg:$0xb]  }
0x29: {  	s30 =	rddreg [dreg:$0x7];
	s2 =	sadd.s32 $0x1, s29  }
0x2a: {  	p0 =	sne.s32 s2, s30  }
.Ltmp1:
0x2b: {  	_ = 	snop;
	(pc) =	sbr.rel @!p0 .LBB2_8-.Ltmp1, $3  }
0x2c: {  	_ =	sdelay $0x1  }
0x2d: {  	[sflag:s28] =	ssyncset.done $0x0  }
0x2e: {  	s15 =	simm.s32 $0x4100;
	[sflag:s28] =	ssyncadd.s32 $0xFFFFF800  }
.LBB2_1:
0x2f: {  	s0 =	rddreg [dreg:$0x5];
	s22 =	simm.s32 $0x80;
	s5 =	simm.s32 $0x100  }
0x30: {  	[tilespmem:s4], [sflag:$0xB] =	stream.strided.gather [hbm4b:s0+s22], $0x100, s5, s22, $0x38;
	[tilespmem:$0x18100] =	vst v63  }
0x31: {  	[dreg:$0xb] =	wrdreg s2;
	s22 =	simm.s32 $0xB  }
0x32: {  	_ =	swait.ge [sflag:s22], $0x100  }
0x33: {  	[sflag:s22] =	ssyncset.done $0x0  }
0x34: {  	[sflag:s22] =	ssyncadd.s32 $0xFFFFFF00  }
0x35: {  	v2 =	vld.msk [tilespmem:$0x0], $0xff;
	_ =	sdelay $0x4  }
0x36: {  	v3 =	vshll.u32 v2, $0x4  }
0x37: {  	v2 =	vand.u32 $0x7, v2;
	v3 =	vand.u32 $0xFFFFFF80, v3  }
0x38: {  	v2 =	vor.u32 v2, v3  }
0x39: {  	v2 =	vperm.xlane v2, v0;
	_ =	sdelay $0x1  }
0x3a: {  	v2 =	vadd.s32 v1, v2;
	_ =	sdelay $0x4  }
0x3b: {  	[tilespmem:s5], [sflag:$0x1] =	stream.indirect_vreg.gather [hbm4b:s1+s4], $0x80, v2, vm0, $0xb8;
	[tilespmem:$0x18100] =	vst v63  }
0x3c: {  	s2 =	simm.s32 $0x900  }
0x3d: {  	[tilespmem:s2], [sflag:$0x1] =	stream.indirect_vreg.gather [hbm4b:s6+s4], $0x80, v2, vm0, $0xb8;
	[tilespmem:$0x18100] =	vst v63  }
0x3e: {  	s5 =	simm.s32 $0x1100  }
0x3f: {  	[tilespmem:s5], [sflag:$0x1] =	stream.indirect_vreg.gather [hbm4b:s7+s4], $0x80, v2, vm0, $0xb8;
	[tilespmem:$0x18100] =	vst v63  }
0x40: {  	s22 =	simm.s32 $0x1900  }
0x41: {  	[tilespmem:s22], [sflag:$0x1] =	stream.indirect_vreg.gather [hbm4b:s8+s4], $0x80, v2, vm0, $0xb8;
	[tilespmem:$0x18100] =	vst v63  }
0x42: {  	s2 =	simm.s32 $0x2100  }
0x43: {  	[tilespmem:s2], [sflag:$0x1] =	stream.indirect_vreg.gather [hbm4b:s9+s4], $0x80, v2, vm0, $0xb8;
	[tilespmem:$0x18100] =	vst v63  }
0x44: {  	s5 =	simm.s32 $0x2900  }
0x45: {  	[tilespmem:s5], [sflag:$0x1] =	stream.indirect_vreg.gather [hbm4b:s10+s4], $0x80, v2, vm0, $0xb8;
	[tilespmem:$0x18100] =	vst v63  }
0x46: {  	s22 =	simm.s32 $0x3100  }
0x47: {  	[tilespmem:s22], [sflag:$0x1] =	stream.indirect_vreg.gather [hbm4b:s11+s4], $0x80, v2, vm0, $0xb8;
	[tilespmem:$0x18100] =	vst v63  }
0x48: {  	s2 =	simm.s32 $0x3900  }
0x49: {  	[tilespmem:s2], [sflag:$0x1] =	stream.indirect_vreg.gather [hbm4b:s12+s4], $0x80, v2, vm0, $0xb8;
	[tilespmem:$0x18100] =	vst v63  }
0x4a: {  	v2 =	vld.msk [tilespmem:$0x8], $0xff;
	_ =	sdelay $0x4  }
0x4b: {  	v3 =	vshll.u32 v2, $0x4  }
0x4c: {  	v2 =	vand.u32 $0x7, v2;
	v3 =	vand.u32 $0xFFFFFF80, v3  }
0x4d: {  	v2 =	vor.u32 v2, v3  }
0x4e: {  	v2 =	vperm.xlane v2, v0;
	_ =	sdelay $0x1  }
0x4f: {  	v2 =	vadd.s32 v1, v2;
	_ =	sdelay $0x4  }
0x50: {  	[tilespmem:s15], [sflag:$0x2] =	stream.indirect_vreg.gather [hbm4b:s1+s4], $0x80, v2, vm0, $0xb8;
	[tilespmem:$0x18100] =	vst v63  }
0x51: {  	s5 =	simm.s32 $0x4900  }
0x52: {  	[tilespmem:s5], [sflag:$0x2] =	stream.indirect_vreg.gather [hbm4b:s6+s4], $0x80, v2, vm0, $0xb8;
	[tilespmem:$0x18100] =	vst v63  }
0x53: {  	s15 =	simm.s32 $0x5100  }
0x54: {  	[tilespmem:s15], [sflag:$0x2] =	stream.indirect_vreg.gather [hbm4b:s7+s4], $0x80, v2, vm0, $0xb8;
	[tilespmem:$0x18100] =	vst v63  }
0x55: {  	s22 =	simm.s32 $0x5900  }
0x56: {  	[tilespmem:s22], [sflag:$0x2] =	stream.indirect_vreg.gather [hbm4b:s8+s4], $0x80, v2, vm0, $0xb8;
	[tilespmem:$0x18100] =	vst v63  }
0x57: {  	s2 =	simm.s32 $0x6100  }
0x58: {  	[tilespmem:s2], [sflag:$0x2] =	stream.indirect_vreg.gather [hbm4b:s9+s4], $0x80, v2, vm0, $0xb8;
	[tilespmem:$0x18100] =	vst v63  }
0x59: {  	s5 =	simm.s32 $0x6900  }
0x5a: {  	[tilespmem:s5], [sflag:$0x2] =	stream.indirect_vreg.gather [hbm4b:s10+s4], $0x80, v2, vm0, $0xb8;
	[tilespmem:$0x18100] =	vst v63  }
.Ltmp2:
0x5b: {  	_ = 	snop;
	(pc) =	sbr.rel .LBB2_2-.Ltmp2, $4  }
0x5c: {  	s29 =	simm.s32 $0x28;
	s15 =	simm.s32 $0x7100  }
0x5d: {  	[tilespmem:s15], [sflag:$0x2] =	stream.indirect_vreg.gather [hbm4b:s11+s4], $0x80, v2, vm0, $0xb8;
	[tilespmem:$0x18100] =	vst v63  }
0x5e: {  	s30 =	rddreg [dreg:$0x8];
	s22 =	simm.s32 $0x7900;
	s2 =	simm.s32 $0x0  }
0x5f: {  	[tilespmem:s22], [sflag:$0x2] =	stream.indirect_vreg.gather [hbm4b:s12+s4], $0x80, v2, vm0, $0xb8;
	[tilespmem:$0x18100] =	vst v63  }
.LBB2_3:
0x60: {  	_ =	swait.ge [sflag:s24], $0x4000  }
0x61: {  	[sflag:s24] =	ssyncset.done $0x0  }
0x62: {  	[sflag:s24] =	ssyncadd.s32 $0xFFFFC000  }
.LBB2_5:
0x63: {  	_ =	swait.ge [sflag:s28], $0x800  }
0x64: {  	[sflag:s28] =	ssyncset.done $0x0  }
0x65: {  	[sflag:s28] =	ssyncadd.s32 $0xFFFFF800  }
.LBB2_6:
0x66: {  	s2 =	sadd.s32 $0x2000, s2  }
0x67: {  	p0 =	sne.s32 s2, $0x10000  }
.Ltmp3:
0x68: {  	_ = 	snop;
	(pc) =	sbr.rel @!p0 .LBB2_7-.Ltmp3, $3  }
0x69: {  	_ =	sdelay $0x1  }
0x6a: {  	[spmem:s14] =	stream.linear.scatter [tilespmem:s26], [sflag:$0x8], $0x4000, $0x38;
	[tilespmem:$0x18100] =	vst v63  }
0x6b: {  	s30 =	sadd.s32 $0x10000, s30;
	s29 =	sadd.s32 $0x20, s29  }
.LBB2_2:
0x6c: {  	p0 =	seq.s32 s2, $0x0  }
0x6d: {  	s22 =	simm.s32 @!p0 $0x6  }
0x6e: {  	_ =	swait.ge @!p0 [sflag:s22], $0x4000  }
0x6f: {  	[sflag:s22] =	ssyncset.done @!p0 $0x0  }
0x70: {  	[sflag:s22] =	ssyncadd.s32 @!p0 $0xFFFFC000  }
0x71: {  	v2 =	vld.msk [tilespmem:s29+$0xFFFFFFE8], $0xff;
	_ =	sdelay $0x4  }
0x72: {  	v3 =	vshll.u32 v2, $0x4  }
0x73: {  	v2 =	vand.u32 $0x7, v2;
	v3 =	vand.u32 $0xFFFFFF80, v3  }
0x74: {  	v2 =	vor.u32 v2, v3  }
0x75: {  	v2 =	vperm.xlane v2, v0;
	_ =	sdelay $0x1  }
0x76: {  	v2 =	vadd.s32 v1, v2;
	_ =	sdelay $0x4  }
0x77: {  	[tilespmem:s31], [sflag:$0x3] =	stream.indirect_vreg.gather [hbm4b:s1+s4], $0x80, v2, vm0, $0xb8;
	[tilespmem:$0x18100] =	vst v63  }
0x78: {  	s0 =	simm.s32 $0x8900  }
0x79: {  	[tilespmem:s0], [sflag:$0x3] =	stream.indirect_vreg.gather [hbm4b:s6+s4], $0x80, v2, vm0, $0xb8;
	[tilespmem:$0x18100] =	vst v63  }
0x7a: {  	s22 =	simm.s32 $0x9100  }
0x7b: {  	[tilespmem:s22], [sflag:$0x3] =	stream.indirect_vreg.gather [hbm4b:s7+s4], $0x80, v2, vm0, $0xb8;
	[tilespmem:$0x18100] =	vst v63  }
0x7c: {  	s5 =	simm.s32 $0x9900  }
0x7d: {  	[tilespmem:s5], [sflag:$0x3] =	stream.indirect_vreg.gather [hbm4b:s8+s4], $0x80, v2, vm0, $0xb8;
	[tilespmem:$0x18100] =	vst v63  }
0x7e: {  	s15 =	simm.s32 $0xA100  }
0x7f: {  	[tilespmem:s15], [sflag:$0x3] =	stream.indirect_vreg.gather [hbm4b:s9+s4], $0x80, v2, vm0, $0xb8;
	[tilespmem:$0x18100] =	vst v63  }
0x80: {  	s22 =	simm.s32 $0xA900  }
0x81: {  	[tilespmem:s22], [sflag:$0x3] =	stream.indirect_vreg.gather [hbm4b:s10+s4], $0x80, v2, vm0, $0xb8;
	[tilespmem:$0x18100] =	vst v63  }
0x82: {  	s5 =	simm.s32 $0xB100  }
0x83: {  	[tilespmem:s5], [sflag:$0x3] =	stream.indirect_vreg.gather [hbm4b:s11+s4], $0x80, v2, vm0, $0xb8;
	[tilespmem:$0x18100] =	vst v63  }
0x84: {  	s15 =	simm.s32 $0xB900  }
0x85: {  	[tilespmem:s15], [sflag:$0x3] =	stream.indirect_vreg.gather [hbm4b:s12+s4], $0x80, v2, vm0, $0xb8;
	[tilespmem:$0x18100] =	vst v63  }
0x86: {  	_ =	swait.ge [sflag:s25], $0x4000  }
0x87: {  	s15 =	simm.s32 $0x100;
	[sflag:s25] =	ssyncset.done $0x0;
	s22 =	rddreg [dreg:$0xa]  }
0x88: {  	[sflag:s25] =	ssyncadd.s32 $0xFFFFC000;
	s5 =	sadd.s32 s2, s22;
	s22 =	simm.s32 @!p0 $0x8  }
0x89: {  	[hbm4b:s5+s4] =	stream.linear.scatter [tilespmem:s15], [sflag:$0x5], $0x4000, $0x38;
	[tilespmem:$0x18100] =	vst v63  }
0x8a: {  	_ =	swait.ge @!p0 [sflag:s22], $0x4000  }
0x8b: {  	[sflag:s22] =	ssyncset.done @!p0 $0x0  }
0x8c: {  	[sflag:s22] =	ssyncadd.s32 @!p0 $0xFFFFC000  }
0x8d: {  	s5 =	sshll.u32 @!p0 s19, $0x6;
	s22 =	sshrl.u32 @!p0 s30, $0x3;
	s0 =	rddreg [dreg:$0x2]  }
0x8e: {  	s15 =	sshrl.u32 @!p0 s14, $0x3;
	s5 =	sor.u32 @!p0 $0x1C0A, s5;
	s22 =	sadd.s32 @!p0 s0, s22  }
0x8f: {  	[hbm:s22], [sflag:s5] =	dma.local @!p0 [spmem:s15], $0x800  }
0x90: {  	v2 =	vld.msk [tilespmem:s29+$0xFFFFFFF0], $0xff;
	_ =	sdelay $0x4  }
0x91: {  	v3 =	vshll.u32 v2, $0x4  }
0x92: {  	v2 =	vand.u32 $0x7, v2;
	v3 =	vand.u32 $0xFFFFFF80, v3  }
0x93: {  	v2 =	vor.u32 v2, v3  }
0x94: {  	v2 =	vperm.xlane v2, v0;
	_ =	sdelay $0x1  }
0x95: {  	v2 =	vadd.s32 v1, v2;
	_ =	sdelay $0x4  }
0x96: {  	[tilespmem:s26], [sflag:$0x4] =	stream.indirect_vreg.gather [hbm4b:s1+s4], $0x80, v2, vm0, $0xb8;
	[tilespmem:$0x18100] =	vst v63  }
0x97: {  	s22 =	simm.s32 $0xC900  }
0x98: {  	[tilespmem:s22], [sflag:$0x4] =	stream.indirect_vreg.gather [hbm4b:s6+s4], $0x80, v2, vm0, $0xb8;
	[tilespmem:$0x18100] =	vst v63  }
0x99: {  	s5 =	simm.s32 $0xD100  }
0x9a: {  	[tilespmem:s5], [sflag:$0x4] =	stream.indirect_vreg.gather [hbm4b:s7+s4], $0x80, v2, vm0, $0xb8;
	[tilespmem:$0x18100] =	vst v63  }
0x9b: {  	s15 =	simm.s32 $0xD900  }
0x9c: {  	[tilespmem:s15], [sflag:$0x4] =	stream.indirect_vreg.gather [hbm4b:s8+s4], $0x80, v2, vm0, $0xb8;
	[tilespmem:$0x18100] =	vst v63  }
0x9d: {  	s22 =	simm.s32 $0xE100  }
0x9e: {  	[tilespmem:s22], [sflag:$0x4] =	stream.indirect_vreg.gather [hbm4b:s9+s4], $0x80, v2, vm0, $0xb8;
	[tilespmem:$0x18100] =	vst v63  }
0x9f: {  	s5 =	simm.s32 $0xE900  }
0xa0: {  	[tilespmem:s5], [sflag:$0x4] =	stream.indirect_vreg.gather [hbm4b:s10+s4], $0x80, v2, vm0, $0xb8;
	[tilespmem:$0x18100] =	vst v63  }
0xa1: {  	s15 =	simm.s32 $0xF100  }
0xa2: {  	[tilespmem:s15], [sflag:$0x4] =	stream.indirect_vreg.gather [hbm4b:s11+s4], $0x80, v2, vm0, $0xb8;
	[tilespmem:$0x18100] =	vst v63  }
0xa3: {  	s22 =	simm.s32 $0xF900  }
0xa4: {  	[tilespmem:s22], [sflag:$0x4] =	stream.indirect_vreg.gather [hbm4b:s12+s4], $0x80, v2, vm0, $0xb8;
	[tilespmem:$0x18100] =	vst v63  }
0xa5: {  	_ =	swait.ge [sflag:s16], $0x4000  }
0xa6: {  	[sflag:s16] =	ssyncset.done $0x0  }
0xa7: {  	s5 =	simm.s32 @!p0 $0x9;
	[sflag:s16] =	ssyncadd.s32 $0xFFFFC000  }
0xa8: {  	_ =	swait.ge @!p0 [sflag:s5], $0x800  }
0xa9: {  	[sflag:s5] =	ssyncset.done @!p0 $0x0  }
0xaa: {  	[sflag:s5] =	ssyncadd.s32 @!p0 $0xFFFFF800  }
0xab: {  	[spmem:s13] =	stream.linear.scatter [tilespmem:s3], [sflag:$0x7], $0x4000, $0x38;
	[tilespmem:$0x18100] =	vst v63  }
0xac: {  	_ =	swait.ge [sflag:s18], $0x4000  }
0xad: {  	[sflag:s18] =	ssyncset.done $0x0  }
0xae: {  	p1 =	seq.s32 s2, $0xE000;
	[sflag:s18] =	ssyncadd.s32 $0xFFFFC000  }
0xaf: {  	v2 =	vld.msk @!p1 [tilespmem:s29+$0xFFFFFFF8], $0xff;
	_ =	sdelay $0x4  }
0xb0: {  	v3 =	vshll.u32 @!p1 v2, $0x4  }
0xb1: {  	v4 =	vlaneseq.u32 @!p1;
	v2 =	vand.u32 @!p1 $0x7, v2;
	v3 =	vand.u32 @!p1 $0xFFFFFF80, v3  }
0xb2: {  	v2 =	vor.u32 @!p1 v2, v3;
	v3 =	vand.u32 @!p1 $0x7, v4;
	v4 =	vshrl.u32 @!p1 v4, $0x3  }
0xb3: {  	v2 =	vperm.xlane @!p1 v2, v3;
	v3 =	vmul.u32 @!p1 $0x8, v4;
	_ =	sdelay $0x1  }
0xb4: {  	v2 =	vadd.s32 @!p1 v3, v2;
	_ =	sdelay $0x3  }
0xb5: {  	vm1 =	vmmov @!p1 $0xffff;
	s15 =	simm.s32 @!p1 $0x100;
	s5 =	simm.s32 @!p1 $0x0  }
0xb6: {  	[tilespmem:s15], [sflag:$0x1] =	stream.indirect_vreg.gather @!p1 [hbm4b:s1+s5], $0x80, v2, vm1, $0xb8;
	[tilespmem:$0x18100] =	vst v63  }
0xb7: {  	s15 =	simm.s32 @!p1 $0x900  }
0xb8: {  	[tilespmem:s15], [sflag:$0x1] =	stream.indirect_vreg.gather @!p1 [hbm4b:s6+s5], $0x80, v2, vm1, $0xb8;
	[tilespmem:$0x18100] =	vst v63  }
0xb9: {  	s15 =	simm.s32 @!p1 $0x1100  }
0xba: {  	[tilespmem:s15], [sflag:$0x1] =	stream.indirect_vreg.gather @!p1 [hbm4b:s7+s5], $0x80, v2, vm1, $0xb8;
	[tilespmem:$0x18100] =	vst v63  }
0xbb: {  	s15 =	simm.s32 @!p1 $0x1900  }
0xbc: {  	[tilespmem:s15], [sflag:$0x1] =	stream.indirect_vreg.gather @!p1 [hbm4b:s8+s5], $0x80, v2, vm1, $0xb8;
	[tilespmem:$0x18100] =	vst v63  }
0xbd: {  	s15 =	simm.s32 @!p1 $0x2100  }
0xbe: {  	[tilespmem:s15], [sflag:$0x1] =	stream.indirect_vreg.gather @!p1 [hbm4b:s9+s5], $0x80, v2, vm1, $0xb8;
	[tilespmem:$0x18100] =	vst v63  }
0xbf: {  	s15 =	simm.s32 @!p1 $0x2900  }
0xc0: {  	[tilespmem:s15], [sflag:$0x1] =	stream.indirect_vreg.gather @!p1 [hbm4b:s10+s5], $0x80, v2, vm1, $0xb8;
	[tilespmem:$0x18100] =	vst v63  }
0xc1: {  	s15 =	simm.s32 @!p1 $0x3100  }
0xc2: {  	[tilespmem:s15], [sflag:$0x1] =	stream.indirect_vreg.gather @!p1 [hbm4b:s11+s5], $0x80, v2, vm1, $0xb8;
	[tilespmem:$0x18100] =	vst v63  }
0xc3: {  	s15 =	simm.s32 @!p1 $0x3900  }
0xc4: {  	[tilespmem:s15], [sflag:$0x1] =	stream.indirect_vreg.gather @!p1 [hbm4b:s12+s5], $0x80, v2, vm1, $0xb8;
	[tilespmem:$0x18100] =	vst v63  }
0xc5: {  	_ =	swait.ge [sflag:s23], $0x4000  }
0xc6: {  	[sflag:s23] =	ssyncset.done $0x0  }
0xc7: {  	s0 =	sadd.s32 s2, s20;
	p1 =	sne.s32 s2, $0xE000;
	[sflag:s23] =	ssyncadd.s32 $0xFFFFC000  }
0xc8: {  	[hbm4b:s0+s4] =	stream.linear.scatter [tilespmem:s31], [sflag:$0x6], $0x4000, $0x38;
	[tilespmem:$0x18100] =	vst v63  }
.Ltmp4:
0xc9: {  	_ = 	snop;
	(pc) =	sbr.rel @!p1 .LBB2_3-.Ltmp4, $4  }
0xca: {  	s22 =	sshll.u32 s19, $0x6;
	_ =	swait.ge [sflag:s21], $0x4000  }
0xcb: {  	s0 =	sshrl.u32 s13, $0x3;
	[sflag:s21] =	ssyncset.done $0x0;
	s15 =	rddreg [dreg:$0x9]  }
0xcc: {  	[sflag:s21] =	ssyncadd.s32 $0xFFFFC000;
	s5 =	sadd.s32 s2, s15;
	s15 =	sor.u32 $0x1C09, s22  }
0xcd: {  	[hbm:s5], [sflag:s15] =	dma.local [spmem:s0], $0x800  }
0xce: {  	v2 =	vld.msk [tilespmem:s29+$0x0], $0xff;
	_ =	sdelay $0x4  }
0xcf: {  	v3 =	vshll.u32 v2, $0x4  }
0xd0: {  	v2 =	vand.u32 $0x7, v2;
	v3 =	vand.u32 $0xFFFFFF80, v3  }
0xd1: {  	v2 =	vor.u32 v2, v3  }
0xd2: {  	v2 =	vperm.xlane v2, v0;
	_ =	sdelay $0x1  }
0xd3: {  	v2 =	vadd.s32 v1, v2;
	_ =	sdelay $0x4  }
0xd4: {  	[tilespmem:s3], [sflag:$0x2] =	stream.indirect_vreg.gather [hbm4b:s1+s4], $0x80, v2, vm0, $0xb8;
	[tilespmem:$0x18100] =	vst v63  }
0xd5: {  	s0 =	simm.s32 $0x4900  }
0xd6: {  	[tilespmem:s0], [sflag:$0x2] =	stream.indirect_vreg.gather [hbm4b:s6+s4], $0x80, v2, vm0, $0xb8;
	[tilespmem:$0x18100] =	vst v63  }
0xd7: {  	s5 =	simm.s32 $0x5100  }
0xd8: {  	[tilespmem:s5], [sflag:$0x2] =	stream.indirect_vreg.gather [hbm4b:s7+s4], $0x80, v2, vm0, $0xb8;
	[tilespmem:$0x18100] =	vst v63  }
0xd9: {  	s15 =	simm.s32 $0x5900  }
0xda: {  	[tilespmem:s15], [sflag:$0x2] =	stream.indirect_vreg.gather [hbm4b:s8+s4], $0x80, v2, vm0, $0xb8;
	[tilespmem:$0x18100] =	vst v63  }
0xdb: {  	s5 =	simm.s32 $0x6100  }
0xdc: {  	[tilespmem:s5], [sflag:$0x2] =	stream.indirect_vreg.gather [hbm4b:s9+s4], $0x80, v2, vm0, $0xb8;
	[tilespmem:$0x18100] =	vst v63  }
0xdd: {  	s15 =	simm.s32 $0x6900  }
0xde: {  	[tilespmem:s15], [sflag:$0x2] =	stream.indirect_vreg.gather [hbm4b:s10+s4], $0x80, v2, vm0, $0xb8;
	[tilespmem:$0x18100] =	vst v63  }
0xdf: {  	s5 =	simm.s32 $0x7100  }
0xe0: {  	[tilespmem:s5], [sflag:$0x2] =	stream.indirect_vreg.gather [hbm4b:s11+s4], $0x80, v2, vm0, $0xb8;
	[tilespmem:$0x18100] =	vst v63  }
0xe1: {  	s15 =	simm.s32 $0x7900  }
0xe2: {  	[tilespmem:s15], [sflag:$0x2] =	stream.indirect_vreg.gather [hbm4b:s12+s4], $0x80, v2, vm0, $0xb8;
	[tilespmem:$0x18100] =	vst v63  }
.Ltmp5:
0xe3: {  	_ = 	snop;
	(pc) =	sbr.rel @!p0 .LBB2_5-.Ltmp5, $4  }
.Ltmp6:
0xe4: {  	_ = 	snop;
	(pc) =	sbr.rel @p0 .LBB2_6-.Ltmp6, $4  }
0xe5: {  	_ =	swait.ge [sflag:s24], $0x4000  }
0xe6: {  	[sflag:s24] =	ssyncset.done $0x0  }
0xe7: {  	[sflag:s24] =	ssyncadd.s32 $0xFFFFC000  }
0xe8: {  	_ = 	snop  }
.LBB2_8:
0xe9: {  	_ =	sfence.sel $0x180000  }
0xea: {  	[bflag:$0x0] =	sbarrier.arrive $0xFFFF  }
0xeb: {  	_ =	strace $0x90000047  }
0xec: {  	[bflag:$0x2] =	sbarrier.arrive $0xFFFF  }
0xed: {  	p0 =	sne.s32 s17, $0x0;
	s0 =	rddreg [dreg:$0x4]  }
0xee: {  	s0 =	sadd.s32 @!p0 $0x100000, s0  }
0xef: {  	[sflag:s0] =	ssyncadd.tile.s32 @!p0 $0x1;
	_ =	shalt  }
.Lfunc_end2:
_tile_overlayer_lowered:
.L_overlay_start_2:
0xf0: {  	(tag) =	ssettag $0x2  }
0xf1: {  	s0 =	rddreg [dreg:$0x0];
	s2 =	stileid.u32  }
0xf2: {  	s1 =	rddreg [dreg:$0x1];
	p0 =	sne.s32 s2, $0x0  }
0xf3: {  	s3 =	rddreg [dreg:$0x2];
	[bflag:$0x3] =	sbarrier.arrive $0xFFFF;
	s2 =	simm.s32 @!p0 $0x1C0B  }
0xf4: {  	[timem:s3], [sflag:s2] =	dma.local @!p0 [hbm:s0], s1  }
0xf5: {  	s0 =	simm.s32 @!p0 $0xB  }
0xf6: {  	_ =	swait.ge @!p0 [sflag:s0], s1  }
0xf7: {  	s1 =	ssub.s32 @!p0 $0x0, s1;
	[sflag:s0] =	ssyncset.done @!p0 $0x0  }
0xf8: {  	[sflag:s0] =	ssyncadd.s32 @!p0 s1  }
0xf9: {  	[bflag:$0x3] =	sbarrier.arrive $0xFFFF  }
0xfa: {  	_ =	shalt  }

</sc_bundles>
